<compile_context>
chip_gen: v7x
topology: tpu7x:2x2x1
jax: 0.10.2.dev20260603
libtpu: 0.0.44.dev20260713+nightly
codegen_flags: <defaults>
</compile_context>

<pallas_src>
import functools

import jax
import jax.numpy as jnp
from jax import lax
from jax.experimental import pallas as pl
from jax.experimental.pallas import tpu as pltpu
from jax.experimental.pallas import tpu_sc as plsc

_L = 16
f32 = jnp.float32
i32 = jnp.int32


def _iota16():
    return lax.iota(i32, _L)


def _splat_i(v):
    return jnp.zeros((_L,), i32) + v



@functools.partial(jax.jit, static_argnames=("S", "n_rays"))
def _sc_gather(ox, oy, oz, dx, dy, dz, ray, ts, te, *, S, n_rays):
    NW = 32
    CH = S // NW
    HB = CH // 2
    mesh = plsc.VectorSubcoreMesh(core_axis_name="c", subcore_axis_name="s")
    out = [jax.ShapeDtypeStruct((S,), f32) for _ in range(8)]
    scratch = (
        [pltpu.VMEM((n_rays,), f32) for _ in range(6)]
        + [pltpu.VMEM((CH,), i32), pltpu.VMEM((CH,), f32), pltpu.VMEM((CH,), f32)]
        + [pltpu.VMEM((HB,), f32) for _ in range(8)]
    )

    @functools.partial(pl.kernel, mesh=mesh, out_type=out, scratch_types=scratch,
                       compiler_params=pltpu.CompilerParams(needs_layout_passes=False))
    def k(ox_h, oy_h, oz_h, dx_h, dy_h, dz_h, ray_h, ts_h, te_h,
          px_h, py_h, pz_h, gx_h, gy_h, gz_h, dl_h, tm_h,
          tox, toy, toz, tdx, tdy, tdz, ray_v, ts_v, te_v,
          bpx, bpy, bpz, bgx, bgy, bgz, bdl, btm):
        wid = lax.axis_index("s") * 2 + lax.axis_index("c")
        base = wid * CH
        pltpu.sync_copy(ox_h, tox)
        pltpu.sync_copy(oy_h, toy)
        pltpu.sync_copy(oz_h, toz)
        pltpu.sync_copy(dx_h, tdx)
        pltpu.sync_copy(dy_h, tdy)
        pltpu.sync_copy(dz_h, tdz)
        pltpu.sync_copy(ray_h.at[pl.ds(base, CH)], ray_v)
        pltpu.sync_copy(ts_h.at[pl.ds(base, CH)], ts_v)
        pltpu.sync_copy(te_h.at[pl.ds(base, CH)], te_v)
        for h in range(2):
            def step(j, _, h=h):
                o = h * HB + j * _L
                ol = j * _L
                idx = ray_v[pl.ds(o, _L)]
                tsv = ts_v[pl.ds(o, _L)]
                tev = te_v[pl.ds(o, _L)]
                tm = (tsv + tev) * 0.5
                gox = plsc.load_gather(tox, [idx])
                goy = plsc.load_gather(toy, [idx])
                goz = plsc.load_gather(toz, [idx])
                gdx = plsc.load_gather(tdx, [idx])
                gdy = plsc.load_gather(tdy, [idx])
                gdz = plsc.load_gather(tdz, [idx])
                bpx[pl.ds(ol, _L)] = gox + gdx * tm
                bpy[pl.ds(ol, _L)] = goy + gdy * tm
                bpz[pl.ds(ol, _L)] = goz + gdz * tm
                bgx[pl.ds(ol, _L)] = gdx
                bgy[pl.ds(ol, _L)] = gdy
                bgz[pl.ds(ol, _L)] = gdz
                bdl[pl.ds(ol, _L)] = tev - tsv
                btm[pl.ds(ol, _L)] = tm
                return 0
            lax.fori_loop(0, HB // _L, step, 0)
            off = base + h * HB
            pltpu.sync_copy(bpx, px_h.at[pl.ds(off, HB)])
            pltpu.sync_copy(bpy, py_h.at[pl.ds(off, HB)])
            pltpu.sync_copy(bpz, pz_h.at[pl.ds(off, HB)])
            pltpu.sync_copy(bgx, gx_h.at[pl.ds(off, HB)])
            pltpu.sync_copy(bgy, gy_h.at[pl.ds(off, HB)])
            pltpu.sync_copy(bgz, gz_h.at[pl.ds(off, HB)])
            pltpu.sync_copy(bdl, dl_h.at[pl.ds(off, HB)])
            pltpu.sync_copy(btm, tm_h.at[pl.ds(off, HB)])

    return k(ox, oy, oz, dx, dy, dz, ray, ts, te)



_BS = 8192


def _bdot(a, b):
    return jnp.dot(a.astype(jnp.bfloat16), b.astype(jnp.bfloat16),
                   preferred_element_type=f32)


def _mlp_body(px, py, pz, gx, gy, gz, dl,
              W0tp, b0c, W1t, b1c, W2t, b2c, Wdc, bds, Wft, bfc, Wce, bcc,
              ro, go, bo, so, ao):
    z = jnp.zeros((1, _BS), f32)
    x8 = jnp.concatenate(
        [px[...], py[...], pz[...], z, gx[...], gy[...], gz[...], z], axis=0)
    h = jnp.maximum(
        jnp.dot(W0tp[...], x8, preferred_element_type=f32) + b0c[...], 0.0)
    h = jnp.maximum(_bdot(W1t[...], h) + b1c[...], 0.0)
    h2 = jnp.maximum(_bdot(W2t[...], h) + b2c[...], 0.0)
    dens = jnp.sum(h2 * Wdc[...], axis=0, keepdims=True) + bds[...]
    feat = jnp.maximum(_bdot(Wft[...], h2) + bfc[...], 0.0)
    fe = jnp.concatenate([feat, x8], axis=0)
    rgb8 = _bdot(Wce[...], fe) + bcc[...]
    rgb8 = 1.0 / (1.0 + jnp.exp(-rgb8))
    s = jnp.maximum(dens, 0.0) * dl[...]
    a = 1.0 - jnp.exp(-s)
    ro[...] = rgb8[0:1]
    go[...] = rgb8[1:2]
    bo[...] = rgb8[2:3]
    so[...] = s
    ao[...] = a


def _tc_mlp(px, py, pz, gx, gy, gz, dl, weights, S):
    NB = S // _BS
    row = pl.BlockSpec((1, _BS), lambda i: (0, i))
    full = lambda w: pl.BlockSpec(w.shape, lambda i: tuple(0 for _ in w.shape))
    in_specs = [row] * 7 + [full(w) for w in weights]
    out_specs = [row] * 5
    outs = [jax.ShapeDtypeStruct((1, S), f32) for _ in range(5)]
    fn = pl.pallas_call(
        _mlp_body,
        grid=(NB,),
        in_specs=in_specs,
        out_specs=out_specs,
        out_shape=outs,
    )
    rows = [a.reshape(1, S) for a in (px, py, pz, gx, gy, gz, dl)]
    return fn(*rows, *weights)



_NW = 32


@functools.partial(jax.jit, static_argnames=("S",))
def _sc_pass1(s_a, ray, *, S):
    CH = S // _NW
    NV = CH // _L
    mesh = plsc.VectorSubcoreMesh(core_axis_name="c", subcore_axis_name="s")
    out = [jax.ShapeDtypeStruct((_NW, _L), f32)]
    scratch = [pltpu.VMEM((CH,), f32), pltpu.VMEM((CH,), i32),
               pltpu.VMEM((_L,), i32), pltpu.VMEM((_L,), f32)]

    @functools.partial(pl.kernel, mesh=mesh, out_type=out, scratch_types=scratch,
                       compiler_params=pltpu.CompilerParams(needs_layout_passes=False))
    def k(s_h, ray_h, info_h, sb_s, sb_ray, bnd, info_o):
        wid = lax.axis_index("s") * 2 + lax.axis_index("c")
        base = wid * CH
        it = _iota16()
        pltpu.sync_copy(s_h.at[pl.ds(base, CH)], sb_s)
        pltpu.sync_copy(ray_h.at[pl.ds(base, CH)], sb_ray)
        poff = pl.multiple_of(jnp.maximum(base - _L, 0), _L)
        pltpu.sync_copy(ray_h.at[pl.ds(poff, _L)], bnd)
        bv = bnd[...]
        prev_ray = jnp.max(jnp.where(it == (_L - 1), bv, -1))
        prev_ray = jnp.where(wid > 0, prev_ray, -1)

        def p1(j, carry):
            ce, runA = carry
            o = j * _L
            sv = sb_s[pl.ds(o, _L)]
            rv = sb_ray[pl.ds(o, _L)]
            rpv = plsc.load_gather(sb_ray, [jnp.maximum(it + (o - 1), 0)])
            rpv = jnp.where(it + o == 0, prev_ray, rpv)
            st = rv != rpv
            anyst = jnp.any(st)

            def slow(ra):
                cs = plsc.cumsum(sv)
                excl = ce + cs - sv
                return jnp.maximum(ra, jnp.max(jnp.where(st, excl, -1.0)))

            runA = lax.cond(anyst, slow, lambda ra: ra, runA)
            ce = ce + jnp.sum(sv)
            return ce, runA
        total, A = lax.fori_loop(0, NV, p1, (f32(0.0), f32(-1.0)))
        has_f = jnp.where(A >= 0.0, f32(1.0), f32(0.0))
        iv = jnp.where(it == 0, total,
                       jnp.where(it == 1, A,
                                 jnp.where(it == 2, has_f, f32(0.0))))
        info_o[...] = iv
        pltpu.sync_copy(info_o, info_h.at[wid])

    return k(s_a, ray)


@functools.partial(jax.jit, static_argnames=("S", "n_rays"))
def _sc_pass2(s_a, a_a, r_a, g_a, b_a, tm_a, ray, info, *, S, n_rays):
    NC = 2
    CH = S // _NW
    SUB = 4096
    NSUB = CH // SUB
    NV = SUB // _L
    NQ = 5
    mesh = plsc.VectorSubcoreMesh(core_axis_name="c", subcore_axis_name="s")
    out = [jax.ShapeDtypeStruct((_NW, NQ * n_rays), f32)]
    scratch = (
        [pltpu.VMEM((CH,), i32)]
        + [pltpu.VMEM((SUB,), f32) for _ in range(6)]
        + [pltpu.VMEM((NQ * n_rays,), f32),
           pltpu.VMEM((_L,), i32),
           pltpu.VMEM((_NW, _L), f32),
           pltpu.VMEM((_L,), f32)]
    )

    @functools.partial(pl.kernel, mesh=mesh, out_type=out, scratch_types=scratch,
                       compiler_params=pltpu.CompilerParams(needs_layout_passes=False))
    def k(s_h, a_h, r_h, g_h, b_h, tm_h, ray_h, info_h, part_h,
          sb_ray, sub_s, sub_a, sub_r, sub_g, sub_b, sub_tm,
          acc, bnd, linfo, tb):

        def bc15(v):
            tb[...] = v
            return plsc.load_gather(tb, [_splat_i(_L - 1)])
        cid = lax.axis_index("c")
        sid = lax.axis_index("s")
        wid = sid * 2 + cid
        base = wid * CH
        it = _iota16()

        def zacc(i, _):
            zz = jnp.zeros((_L,), f32)
            o = i * (4 * _L)
            acc[pl.ds(o, _L)] = zz
            acc[pl.ds(o + _L, _L)] = zz
            acc[pl.ds(o + 2 * _L, _L)] = zz
            acc[pl.ds(o + 3 * _L, _L)] = zz
            return 0
        lax.fori_loop(0, (NQ * n_rays) // (4 * _L), zacc, 0)

        pltpu.sync_copy(ray_h.at[pl.ds(base, CH)], sb_ray)
        pltpu.sync_copy(info_h, linfo)
        poff = pl.multiple_of(jnp.maximum(base - _L, 0), _L)
        pltpu.sync_copy(ray_h.at[pl.ds(poff, _L)], bnd)
        bv = bnd[...]
        prev_ray = jnp.max(jnp.where(it == (_L - 1), bv, -1))
        prev_ray = jnp.where(wid > 0, prev_ray, -1)

        tot0 = plsc.load_gather(linfo, [it, _splat_i(0)])
        tot1 = plsc.load_gather(linfo, [it + _L, _splat_i(0)])
        A0 = plsc.load_gather(linfo, [it, _splat_i(1)])
        A1 = plsc.load_gather(linfo, [it + _L, _splat_i(1)])
        h0 = plsc.load_gather(linfo, [it, _splat_i(2)])
        h1 = plsc.load_gather(linfo, [it + _L, _splat_i(2)])
        sum0 = jnp.sum(tot0)
        ecst0 = plsc.cumsum(tot0) - tot0
        ecst1 = plsc.cumsum(tot1) - tot1 + sum0
        offset = (jnp.sum(jnp.where(it < wid, tot0, 0.0))
                  + jnp.sum(jnp.where(it + _L < wid, tot1, 0.0)))
        carry_start = jnp.maximum(
            jnp.max(jnp.where((it < wid) & (h0 > 0.0), ecst0 + A0, -1.0)),
            jnp.max(jnp.where((it + _L < wid) & (h1 > 0.0), ecst1 + A1, -1.0)))

        zv = jnp.zeros((_L,), f32)
        ce = zv + offset
        ssr = zv + carry_start
        qcs = [zv] * NQ
        for hblk in range(NSUB):
            hoff = base + hblk * SUB
            pltpu.sync_copy(s_h.at[pl.ds(hoff, SUB)], sub_s)
            pltpu.sync_copy(a_h.at[pl.ds(hoff, SUB)], sub_a)
            pltpu.sync_copy(r_h.at[pl.ds(hoff, SUB)], sub_r)
            pltpu.sync_copy(g_h.at[pl.ds(hoff, SUB)], sub_g)
            pltpu.sync_copy(b_h.at[pl.ds(hoff, SUB)], sub_b)
            pltpu.sync_copy(tm_h.at[pl.ds(hoff, SUB)], sub_tm)

            def p2(j, carry, hblk=hblk):
                ce, ssr, qc0, qc1, qc2, qc3, qc4 = carry
                o = hblk * SUB + j * _L
                ol = j * _L
                gav = plsc.load_gather(
                    sb_ray, [_splat_i(jnp.maximum(o - 1, 0))])
                gbv = plsc.load_gather(
                    sb_ray, [_splat_i(jnp.minimum(o + _L, CH - 1))])
                a_v = jnp.where(o == 0, prev_ray, gav)
                b_v = jnp.where(o + _L >= CH, -1, gbv)
                anyb = jnp.any(a_v != b_v)
                sv = sub_s[pl.ds(ol, _L)]
                cs = plsc.cumsum(sv)
                excl = ce + cs - sv
                nce = ce + bc15(cs)
                av = sub_a[pl.ds(ol, _L)]
                tm = sub_tm[pl.ds(ol, _L)]
                rr = sub_r[pl.ds(ol, _L)]
                gg = sub_g[pl.ds(ol, _L)]
                bb = sub_b[pl.ds(ol, _L)]

                def slow(ops):
                    ssr, qc0, qc1, qc2, qc3, qc4 = ops
                    qc = [qc0, qc1, qc2, qc3, qc4]
                    rv = sb_ray[pl.ds(o, _L)]
                    rpv = plsc.load_gather(
                        sb_ray, [jnp.maximum(it + (o - 1), 0)])
                    rpv = jnp.where(it + o == 0, prev_ray, rpv)
                    rnv = plsc.load_gather(
                        sb_ray, [jnp.minimum(it + (o + 1), CH - 1)])
                    rnv = jnp.where(it + o == CH - 1, -1, rnv)
                    st = rv != rpv
                    en = rv != rnv
                    cm = plsc.cummax(jnp.where(st, excl, -1.0))
                    segstart = jnp.maximum(cm, ssr)
                    nssr = bc15(segstart)
                    wv = jnp.exp(-(excl - segstart)) * av
                    en15 = bc15(jnp.where(en, f32(1.0), f32(0.0)))
                    qvals = [wv * rr, wv * gg, wv * bb, wv, wv * tm]
                    nqc = []
                    for qi in range(NQ):
                        qv = qvals[qi]
                        csq = plsc.cumsum(qv)
                        ecsq = csq - qv
                        bq = plsc.cummax(jnp.where(st, ecsq, -1.0))
                        qall = bc15(plsc.cumsum(qc[qi]))
                        si = jnp.where(bq < 0.0, csq + qall, csq - bq)
                        plsc.addupdate_scatter(
                            acc, [rv * NQ + qi], si, mask=en)
                        si15 = bc15(si)
                        nqc.append(jnp.where(it == 0,
                                             si15 * (1.0 - en15), 0.0))
                    return (nssr, nqc[0], nqc[1], nqc[2], nqc[3], nqc[4])

                def fast(ops):
                    ssr, qc0, qc1, qc2, qc3, qc4 = ops
                    wv = jnp.exp(-(excl - ssr)) * av
                    return (ssr, qc0 + wv * rr, qc1 + wv * gg,
                            qc2 + wv * bb, qc3 + wv, qc4 + wv * tm)

                ssr, qc0, qc1, qc2, qc3, qc4 = lax.cond(
                    anyb, slow, fast, (ssr, qc0, qc1, qc2, qc3, qc4))
                return (nce, ssr, qc0, qc1, qc2, qc3, qc4)

            ce, ssr, *qcs = lax.fori_loop(
                0, NV, p2, (ce, ssr, qcs[0], qcs[1], qcs[2], qcs[3], qcs[4]))

        pltpu.sync_copy(acc, part_h.at[wid])

    return k(s_a, a_a, r_a, g_a, b_a, tm_a, ray, info)


@functools.partial(jax.jit, static_argnames=("n_rays",))
def _sc_final(part, *, n_rays):
    NQ = 5
    MR = n_rays // _NW
    W = NQ * MR
    mesh = plsc.VectorSubcoreMesh(core_axis_name="c", subcore_axis_name="s")
    out = [jax.ShapeDtypeStruct((n_rays,), f32) for _ in range(NQ)]
    scratch = ([pltpu.VMEM((W,), f32), pltpu.VMEM((W,), f32)]
               + [pltpu.VMEM((MR,), f32) for _ in range(NQ)])

    @functools.partial(pl.kernel, mesh=mesh, out_type=out, scratch_types=scratch,
                       compiler_params=pltpu.CompilerParams(needs_layout_passes=False))
    def k(part_h, cr_h, cg_h, cb_h, dp_h, op_h, red, tsl,
          ob0, ob1, ob2, ob3, ob4):
        wid = lax.axis_index("s") * 2 + lax.axis_index("c")
        rb = pl.multiple_of(wid * MR, MR)
        cb_off = pl.multiple_of(wid * W, W)

        pltpu.sync_copy(part_h.at[0, pl.ds(cb_off, W)], red)

        def tred(t, _):
            pltpu.sync_copy(part_h.at[t, pl.ds(cb_off, W)], tsl)

            def radd(i, _):
                o = i * (2 * _L)
                red[pl.ds(o, _L)] = red[pl.ds(o, _L)] + tsl[pl.ds(o, _L)]
                red[pl.ds(o + _L, _L)] = (red[pl.ds(o + _L, _L)]
                                          + tsl[pl.ds(o + _L, _L)])
                return 0
            lax.fori_loop(0, W // (2 * _L), radd, 0)
            return 0
        lax.fori_loop(1, _NW, tred, 0)

        it = _iota16()

        def fin(i, _):
            o = i * _L
            b5 = (o + it) * NQ
            opv = plsc.load_gather(red, [b5 + 3])
            rrv = plsc.load_gather(red, [b5])
            ggv = plsc.load_gather(red, [b5 + 1])
            bbv = plsc.load_gather(red, [b5 + 2])
            dpv = plsc.load_gather(red, [b5 + 4])
            ob0[pl.ds(o, _L)] = rrv + (1.0 - opv)
            ob1[pl.ds(o, _L)] = ggv + (1.0 - opv)
            ob2[pl.ds(o, _L)] = bbv + (1.0 - opv)
            ob3[pl.ds(o, _L)] = dpv
            ob4[pl.ds(o, _L)] = opv
            return 0
        lax.fori_loop(0, MR // _L, fin, 0)
        pltpu.sync_copy(ob0, cr_h.at[pl.ds(rb, MR)])
        pltpu.sync_copy(ob1, cg_h.at[pl.ds(rb, MR)])
        pltpu.sync_copy(ob2, cb_h.at[pl.ds(rb, MR)])
        pltpu.sync_copy(ob3, dp_h.at[pl.ds(rb, MR)])
        pltpu.sync_copy(ob4, op_h.at[pl.ds(rb, MR)])

    return k(part)



def kernel(xyz, viewdirs, ray_indices, t_start, t_ends,
           W0, b0, W1, b1, W2, b2, Wd, bd, Wf, bf, Wc, bc):
    Bb, R, _ = xyz.shape
    n_rays = Bb * R
    S = ray_indices.shape[0]
    ro = xyz.reshape(-1, 3)
    vd = viewdirs.reshape(-1, 3)
    ray = ray_indices.astype(i32)
    ts = t_start.astype(f32)
    te = t_ends.astype(f32)

    px, py, pz, gx, gy, gz, dl, tm = _sc_gather(
        ro[:, 0], ro[:, 1], ro[:, 2], vd[:, 0], vd[:, 1], vd[:, 2],
        ray, ts, te, S=S, n_rays=n_rays)

    W0tp = jnp.concatenate([W0.T, jnp.zeros((W0.shape[1], 5), f32)], axis=1)
    Wce = jnp.zeros((8, 136), f32)
    Wce = Wce.at[:3, :128].set(Wc[:128, :].T)
    Wce = Wce.at[:3, 132:135].set(Wc[128:131, :].T)
    bcc = jnp.concatenate([bc, jnp.zeros((5,), f32)])[:, None]
    weights = [W0tp, b0[:, None], W1.T, b1[:, None], W2.T, b2[:, None],
               Wd, bd.reshape(1, 1), Wf.T, bf[:, None], Wce, bcc]

    r_, g_, b_, s_, a_ = _tc_mlp(px, py, pz, gx, gy, gz, dl, weights, S)

    info = _sc_pass1(s_.reshape(S), ray, S=S)
    part = _sc_pass2(s_.reshape(S), a_.reshape(S), r_.reshape(S),
                     g_.reshape(S), b_.reshape(S), tm, ray, info[0],
                     S=S, n_rays=n_rays)
    cr, cg, cb, dp, op = _sc_final(part[0], n_rays=n_rays)

    colors = jnp.stack([cr, cg, cb], axis=-1).reshape(Bb, R, 3)
    depths = dp.reshape(Bb, R, 1)
    opac = op.reshape(Bb, R, 1)
    return colors, depths, opac

# --- scband reference (transcript-rebuilt; emitter-appended) ---
"""Pipeline reference for scband-volumn-renderer-14181982011764 (READ-ONLY COPY).

The authoritative reference and input builder live on the scoring server;
editing this copy changes nothing except your own understanding.
"""

import jax, jax.numpy as jnp
import numpy as np

HID = 128
B, R, S = 4, 2048, 262144


def setup_inputs(seed: int = 0) -> dict:
    key = jax.random.key(seed)
    ks = jax.random.split(key, 12)
    n_rays = B * R
    xyz = jax.random.normal(ks[0], (B, R, 3), dtype=jnp.float32)
    viewdirs = jax.random.normal(ks[1], (B, R, 3), dtype=jnp.float32)
    viewdirs = viewdirs / (jnp.linalg.norm(viewdirs, axis=-1, keepdims=True) + 1e-6)
    ray_indices = jnp.sort(jax.random.randint(ks[2], (S,), 0, n_rays)).astype(jnp.int64)
    t_start = jax.random.uniform(ks[3], (S,), dtype=jnp.float32, minval=2.0, maxval=6.0)
    t_ends = t_start + jax.random.uniform(ks[4], (S,), dtype=jnp.float32, minval=0.01, maxval=0.1)

    def lin(k, fi, fo):
        return (jax.random.normal(k, (fi, fo), dtype=jnp.float32) / np.sqrt(fi)).astype(jnp.float32)

    return {
        'xyz': xyz, 'viewdirs': viewdirs, 'ray_indices': ray_indices,
        't_start': t_start, 't_ends': t_ends,
        'W0': lin(ks[5], 3, HID), 'b0': jnp.zeros((HID,), jnp.float32),
        'W1': lin(ks[6], HID, HID), 'b1': jnp.zeros((HID,), jnp.float32),
        'W2': lin(ks[7], HID, HID), 'b2': jnp.zeros((HID,), jnp.float32),
        'Wd': lin(ks[8], HID, 1), 'bd': jnp.zeros((1,), jnp.float32),
        'Wf': lin(ks[9], HID, HID), 'bf': jnp.zeros((HID,), jnp.float32),
        'Wc': lin(ks[10], HID + 3, 3), 'bc': jnp.zeros((3,), jnp.float32),
    }


def _net(pts, dirs, W0, b0, W1, b1, W2, b2, Wd, bd, Wf, bf, Wc, bc):
    # self.net(pts, viewdirs) -> (rgb_chunk, density_chunk)
    h = jax.nn.relu(pts @ W0 + b0)
    h = jax.nn.relu(h @ W1 + b1)
    h = jax.nn.relu(h @ W2 + b2)
    density = h @ Wd + bd
    feat = jax.nn.relu(h @ Wf + bf)
    rgb = jnp.concatenate([feat, dirs], axis=-1) @ Wc + bc
    return rgb, density


def _render(xyz, viewdirs, ray_indices, t_start, t_ends,
            W0, b0, W1, b1, W2, b2, Wd, bd, Wf, bf, Wc, bc):
    b, r, _ = xyz.shape
    n_rays = b * r
    rays_o_flat = xyz.reshape(-1, 3)
    viewdirs_flat = viewdirs.reshape(-1, 3)
    # rgb_alpha_fn
    t_mid = (t_start + t_ends) / 2.0
    d_g = viewdirs_flat[ray_indices]
    pts = rays_o_flat[ray_indices] + d_g * t_mid[:, None]
    rgb_raw, density = _net(pts, d_g, W0, b0, W1, b1, W2, b2, Wd, bd, Wf, bf, Wc, bc)
    delta = t_ends - t_start
    sigma = jax.nn.relu(density[:, 0])
    s = sigma * delta
    alpha = 1.0 - jnp.exp(-s)
    rgb = jax.nn.sigmoid(rgb_raw)
    # nerfacc.rendering: per-ray exclusive transmittance via global cumsum minus segment-start offset
    csum = jnp.cumsum(s)
    excl = csum - s
    seg_start = jax.ops.segment_min(excl, ray_indices, num_segments=n_rays)
    trans = jnp.exp(-(excl - seg_start[ray_indices]))
    w = trans * alpha
    colors = jax.ops.segment_sum(w[:, None] * rgb, ray_indices, num_segments=n_rays)
    opacities = jax.ops.segment_sum(w, ray_indices, num_segments=n_rays)[:, None]
    depths = jax.ops.segment_sum(w * t_mid, ray_indices, num_segments=n_rays)[:, None]
    # white background
    colors = colors + (1.0 - opacities) * 1.0
    return (colors.reshape(b, r, 3), depths.reshape(b, r, 1), opacities.reshape(b, r, 1))


def reference(xyz, viewdirs, ray_indices, t_start, t_ends,
              W0, b0, W1, b1, W2, b2, Wd, bd, Wf, bf, Wc, bc):
    return _render(xyz, viewdirs, ray_indices, t_start, t_ends,
                   W0, b0, W1, b1, W2, b2, Wd, bd, Wf, bf, Wc, bc)

if __name__ == "__main__":
    import jax
    _d = setup_inputs()
    print(jax.jit(kernel)(*tuple(_d.values())))

</pallas_src>

<mosaic_0001>
#map = affine_map<(d0, d1) -> (0)>
module attributes {stable_mosaic.version = 14 : i64} {
  func.func @k(%arg0: i32, %arg1: i32, %arg2: memref<8192xf32, #tpu.memory_space<hbm>>, %arg3: memref<8192xf32, #tpu.memory_space<hbm>>, %arg4: memref<8192xf32, #tpu.memory_space<hbm>>, %arg5: memref<8192xf32, #tpu.memory_space<hbm>>, %arg6: memref<8192xf32, #tpu.memory_space<hbm>>, %arg7: memref<8192xf32, #tpu.memory_space<hbm>>, %arg8: memref<262144xi32, #tpu.memory_space<hbm>>, %arg9: memref<262144xf32, #tpu.memory_space<hbm>>, %arg10: memref<262144xf32, #tpu.memory_space<hbm>>, %arg11: memref<262144xf32, #tpu.memory_space<hbm>>, %arg12: memref<262144xf32, #tpu.memory_space<hbm>>, %arg13: memref<262144xf32, #tpu.memory_space<hbm>>, %arg14: memref<262144xf32, #tpu.memory_space<hbm>>, %arg15: memref<262144xf32, #tpu.memory_space<hbm>>, %arg16: memref<262144xf32, #tpu.memory_space<hbm>>, %arg17: memref<262144xf32, #tpu.memory_space<hbm>>, %arg18: memref<262144xf32, #tpu.memory_space<hbm>>, %arg19: memref<8192xf32, #tpu.memory_space<vmem>>, %arg20: memref<8192xf32, #tpu.memory_space<vmem>>, %arg21: memref<8192xf32, #tpu.memory_space<vmem>>, %arg22: memref<8192xf32, #tpu.memory_space<vmem>>, %arg23: memref<8192xf32, #tpu.memory_space<vmem>>, %arg24: memref<8192xf32, #tpu.memory_space<vmem>>, %arg25: memref<8192xi32, #tpu.memory_space<vmem>>, %arg26: memref<8192xf32, #tpu.memory_space<vmem>>, %arg27: memref<8192xf32, #tpu.memory_space<vmem>>, %arg28: memref<4096xf32, #tpu.memory_space<vmem>>, %arg29: memref<4096xf32, #tpu.memory_space<vmem>>, %arg30: memref<4096xf32, #tpu.memory_space<vmem>>, %arg31: memref<4096xf32, #tpu.memory_space<vmem>>, %arg32: memref<4096xf32, #tpu.memory_space<vmem>>, %arg33: memref<4096xf32, #tpu.memory_space<vmem>>, %arg34: memref<4096xf32, #tpu.memory_space<vmem>>, %arg35: memref<4096xf32, #tpu.memory_space<vmem>>) attributes {dimension_semantics = [#tpu.dimension_semantics<core_parallel>, #tpu.dimension_semantics<subcore_parallel>], iteration_bounds = array<i64: 2, 16>, scalar_prefetch = 0 : i64, scratch_operands = 17 : i64, tpu.core_type = #tpu.core_type<sc_vector_subcore>, window_params = [{transform_indices = #map}, {transform_indices = #map}, {transform_indices = #map}, {transform_indices = #map}, {transform_indices = #map}, {transform_indices = #map}, {transform_indices = #map}, {transform_indices = #map}, {transform_indices = #map}, {transform_indices = #map}, {transform_indices = #map}, {transform_indices = #map}, {transform_indices = #map}, {transform_indices = #map}, {transform_indices = #map}, {transform_indices = #map}, {transform_indices = #map}]} {
    %mul3A = arith.constant 2 : i32
    %mul3A_0 = arith.muli %arg1, %mul3A : i32
    %add3A = arith.addi %mul3A_0, %arg0 : i32
    %mul3A_1 = arith.constant 8192 : i32
    %mul3A_2 = arith.muli %add3A, %mul3A_1 : i32
    "tpu.region"() ({
      %run_scoped3A = tpu.sem_alloc : memref<!tpu.dma_semaphore, #tpu.memory_space<semaphore_mem>>
      tpu.enqueue_dma source(%arg2 : memref<8192xf32, #tpu.memory_space<hbm>>) target(%arg19 : memref<8192xf32, #tpu.memory_space<vmem>>) target_semaphore(%run_scoped3A : memref<!tpu.dma_semaphore, #tpu.memory_space<semaphore_mem>>)
      tpu.wait_dma2 semaphore(%run_scoped3A : memref<!tpu.dma_semaphore, #tpu.memory_space<semaphore_mem>>) src(%arg2 : memref<8192xf32, #tpu.memory_space<hbm>>) dst(%arg19 : memref<8192xf32, #tpu.memory_space<vmem>>)
      tpu.yield
    }) : () -> ()
    "tpu.region"() ({
      %run_scoped3A = tpu.sem_alloc : memref<!tpu.dma_semaphore, #tpu.memory_space<semaphore_mem>>
      tpu.enqueue_dma source(%arg3 : memref<8192xf32, #tpu.memory_space<hbm>>) target(%arg20 : memref<8192xf32, #tpu.memory_space<vmem>>) target_semaphore(%run_scoped3A : memref<!tpu.dma_semaphore, #tpu.memory_space<semaphore_mem>>)
      tpu.wait_dma2 semaphore(%run_scoped3A : memref<!tpu.dma_semaphore, #tpu.memory_space<semaphore_mem>>) src(%arg3 : memref<8192xf32, #tpu.memory_space<hbm>>) dst(%arg20 : memref<8192xf32, #tpu.memory_space<vmem>>)
      tpu.yield
    }) : () -> ()
    "tpu.region"() ({
      %run_scoped3A = tpu.sem_alloc : memref<!tpu.dma_semaphore, #tpu.memory_space<semaphore_mem>>
      tpu.enqueue_dma source(%arg4 : memref<8192xf32, #tpu.memory_space<hbm>>) target(%arg21 : memref<8192xf32, #tpu.memory_space<vmem>>) target_semaphore(%run_scoped3A : memref<!tpu.dma_semaphore, #tpu.memory_space<semaphore_mem>>)
      tpu.wait_dma2 semaphore(%run_scoped3A : memref<!tpu.dma_semaphore, #tpu.memory_space<semaphore_mem>>) src(%arg4 : memref<8192xf32, #tpu.memory_space<hbm>>) dst(%arg21 : memref<8192xf32, #tpu.memory_space<vmem>>)
      tpu.yield
    }) : () -> ()
    "tpu.region"() ({
      %run_scoped3A = tpu.sem_alloc : memref<!tpu.dma_semaphore, #tpu.memory_space<semaphore_mem>>
      tpu.enqueue_dma source(%arg5 : memref<8192xf32, #tpu.memory_space<hbm>>) target(%arg22 : memref<8192xf32, #tpu.memory_space<vmem>>) target_semaphore(%run_scoped3A : memref<!tpu.dma_semaphore, #tpu.memory_space<semaphore_mem>>)
      tpu.wait_dma2 semaphore(%run_scoped3A : memref<!tpu.dma_semaphore, #tpu.memory_space<semaphore_mem>>) src(%arg5 : memref<8192xf32, #tpu.memory_space<hbm>>) dst(%arg22 : memref<8192xf32, #tpu.memory_space<vmem>>)
      tpu.yield
    }) : () -> ()
    "tpu.region"() ({
      %run_scoped3A = tpu.sem_alloc : memref<!tpu.dma_semaphore, #tpu.memory_space<semaphore_mem>>
      tpu.enqueue_dma source(%arg6 : memref<8192xf32, #tpu.memory_space<hbm>>) target(%arg23 : memref<8192xf32, #tpu.memory_space<vmem>>) target_semaphore(%run_scoped3A : memref<!tpu.dma_semaphore, #tpu.memory_space<semaphore_mem>>)
      tpu.wait_dma2 semaphore(%run_scoped3A : memref<!tpu.dma_semaphore, #tpu.memory_space<semaphore_mem>>) src(%arg6 : memref<8192xf32, #tpu.memory_space<hbm>>) dst(%arg23 : memref<8192xf32, #tpu.memory_space<vmem>>)
      tpu.yield
    }) : () -> ()
    "tpu.region"() ({
      %run_scoped3A = tpu.sem_alloc : memref<!tpu.dma_semaphore, #tpu.memory_space<semaphore_mem>>
      tpu.enqueue_dma source(%arg7 : memref<8192xf32, #tpu.memory_space<hbm>>) target(%arg24 : memref<8192xf32, #tpu.memory_space<vmem>>) target_semaphore(%run_scoped3A : memref<!tpu.dma_semaphore, #tpu.memory_space<semaphore_mem>>)
      tpu.wait_dma2 semaphore(%run_scoped3A : memref<!tpu.dma_semaphore, #tpu.memory_space<semaphore_mem>>) src(%arg7 : memref<8192xf32, #tpu.memory_space<hbm>>) dst(%arg24 : memref<8192xf32, #tpu.memory_space<vmem>>)
      tpu.yield
    }) : () -> ()
    "tpu.region"() ({
      %run_scoped3A = tpu.sem_alloc : memref<!tpu.dma_semaphore, #tpu.memory_space<semaphore_mem>>
      %dma_start3A = tpu.memref_slice %arg8[%mul3A_2] : memref<262144xi32, #tpu.memory_space<hbm>> -> memref<8192xi32, #tpu.memory_space<hbm>>
      %dma_start3A_20 = tpu.memref_slice %arg8[%mul3A_2] : memref<262144xi32, #tpu.memory_space<hbm>> -> memref<8192xi32, #tpu.memory_space<hbm>>
      tpu.enqueue_dma source(%dma_start3A_20 : memref<8192xi32, #tpu.memory_space<hbm>>) target(%arg25 : memref<8192xi32, #tpu.memory_space<vmem>>) target_semaphore(%run_scoped3A : memref<!tpu.dma_semaphore, #tpu.memory_space<semaphore_mem>>)
      %dma_wait3A = tpu.memref_slice %arg8[%mul3A_2] : memref<262144xi32, #tpu.memory_space<hbm>> -> memref<8192xi32, #tpu.memory_space<hbm>>
      %dma_wait3A_21 = tpu.memref_slice %arg8[%mul3A_2] : memref<262144xi32, #tpu.memory_space<hbm>> -> memref<8192xi32, #tpu.memory_space<hbm>>
      tpu.wait_dma2 semaphore(%run_scoped3A : memref<!tpu.dma_semaphore, #tpu.memory_space<semaphore_mem>>) src(%dma_wait3A_21 : memref<8192xi32, #tpu.memory_space<hbm>>) dst(%arg25 : memref<8192xi32, #tpu.memory_space<vmem>>)
      tpu.yield
    }) : () -> ()
    "tpu.region"() ({
      %run_scoped3A = tpu.sem_alloc : memref<!tpu.dma_semaphore, #tpu.memory_space<semaphore_mem>>
      %dma_start3A = tpu.memref_slice %arg9[%mul3A_2] : memref<262144xf32, #tpu.memory_space<hbm>> -> memref<8192xf32, #tpu.memory_space<hbm>>
      %dma_start3A_20 = tpu.memref_slice %arg9[%mul3A_2] : memref<262144xf32, #tpu.memory_space<hbm>> -> memref<8192xf32, #tpu.memory_space<hbm>>
      tpu.enqueue_dma source(%dma_start3A_20 : memref<8192xf32, #tpu.memory_space<hbm>>) target(%arg26 : memref<8192xf32, #tpu.memory_space<vmem>>) target_semaphore(%run_scoped3A : memref<!tpu.dma_semaphore, #tpu.memory_space<semaphore_mem>>)
      %dma_wait3A = tpu.memref_slice %arg9[%mul3A_2] : memref<262144xf32, #tpu.memory_space<hbm>> -> memref<8192xf32, #tpu.memory_space<hbm>>
      %dma_wait3A_21 = tpu.memref_slice %arg9[%mul3A_2] : memref<262144xf32, #tpu.memory_space<hbm>> -> memref<8192xf32, #tpu.memory_space<hbm>>
      tpu.wait_dma2 semaphore(%run_scoped3A : memref<!tpu.dma_semaphore, #tpu.memory_space<semaphore_mem>>) src(%dma_wait3A_21 : memref<8192xf32, #tpu.memory_space<hbm>>) dst(%arg26 : memref<8192xf32, #tpu.memory_space<vmem>>)
      tpu.yield
    }) : () -> ()
    "tpu.region"() ({
      %run_scoped3A = tpu.sem_alloc : memref<!tpu.dma_semaphore, #tpu.memory_space<semaphore_mem>>
      %dma_start3A = tpu.memref_slice %arg10[%mul3A_2] : memref<262144xf32, #tpu.memory_space<hbm>> -> memref<8192xf32, #tpu.memory_space<hbm>>
      %dma_start3A_20 = tpu.memref_slice %arg10[%mul3A_2] : memref<262144xf32, #tpu.memory_space<hbm>> -> memref<8192xf32, #tpu.memory_space<hbm>>
      tpu.enqueue_dma source(%dma_start3A_20 : memref<8192xf32, #tpu.memory_space<hbm>>) target(%arg27 : memref<8192xf32, #tpu.memory_space<vmem>>) target_semaphore(%run_scoped3A : memref<!tpu.dma_semaphore, #tpu.memory_space<semaphore_mem>>)
      %dma_wait3A = tpu.memref_slice %arg10[%mul3A_2] : memref<262144xf32, #tpu.memory_space<hbm>> -> memref<8192xf32, #tpu.memory_space<hbm>>
      %dma_wait3A_21 = tpu.memref_slice %arg10[%mul3A_2] : memref<262144xf32, #tpu.memory_space<hbm>> -> memref<8192xf32, #tpu.memory_space<hbm>>
      tpu.wait_dma2 semaphore(%run_scoped3A : memref<!tpu.dma_semaphore, #tpu.memory_space<semaphore_mem>>) src(%dma_wait3A_21 : memref<8192xf32, #tpu.memory_space<hbm>>) dst(%arg27 : memref<8192xf32, #tpu.memory_space<vmem>>)
      tpu.yield
    }) : () -> ()
    %scan3A = arith.constant 0 : i32
    %scan3A_3 = arith.constant 0 : i32
    %scan3A_4 = arith.constant 256 : i32
    %scan3A_5 = arith.addi %scan3A_3, %scan3A_4 : i32
    %scan3A_6 = arith.constant 1 : i32
    %scan3A_7 = scf.for %scan3A_20 = %scan3A_3 to %scan3A_5 step %scan3A_6 iter_args(%scan3A_21 = %scan3A) -> (i32)  : i32 {
      %mul3A_22 = arith.constant 16 : i32
      %mul3A_23 = arith.muli %scan3A_20, %mul3A_22 : i32
      %add3A_24 = arith.constant 0 : i32
      %add3A_25 = arith.addi %add3A_24, %mul3A_23 : i32
      %mul3A_26 = arith.constant 16 : i32
      %mul3A_27 = arith.muli %scan3A_20, %mul3A_26 : i32
      %get3A = arith.index_cast %add3A_25 : i32 to index
      %get3A_28 = tpu.vector_load %arg25[%get3A] {strides = array<i32>} : memref<8192xi32, #tpu.memory_space<vmem>>, vector<16xi32>,
      %get3A_29 = arith.index_cast %add3A_25 : i32 to index
      %get3A_30 = tpu.vector_load %arg26[%get3A_29] {strides = array<i32>} : memref<8192xf32, #tpu.memory_space<vmem>>, vector<16xf32>,
      %get3A_31 = arith.index_cast %add3A_25 : i32 to index
      %get3A_32 = tpu.vector_load %arg27[%get3A_31] {strides = array<i32>} : memref<8192xf32, #tpu.memory_space<vmem>>, vector<16xf32>,
      %add3A_33 = arith.addf %get3A_30, %get3A_32 : vector<16xf32>
      %mul3A_34 = arith.constant 5.000000e-01 : f32
      %mul3A_35 = vector.broadcast %mul3A_34 : f32 to vector<16xf32>
      %mul3A_36 = arith.mulf %add3A_33, %mul3A_35 : vector<16xf32>
      %gather3A = tpu.vector_load_idx %arg19[%get3A_28] : memref<8192xf32, #tpu.memory_space<vmem>>[vector<16xi32>], vector<16xf32>,
      %gather3A_37 = tpu.vector_load_idx %arg20[%get3A_28] : memref<8192xf32, #tpu.memory_space<vmem>>[vector<16xi32>], vector<16xf32>,
      %gather3A_38 = tpu.vector_load_idx %arg21[%get3A_28] : memref<8192xf32, #tpu.memory_space<vmem>>[vector<16xi32>], vector<16xf32>,
      %gather3A_39 = tpu.vector_load_idx %arg22[%get3A_28] : memref<8192xf32, #tpu.memory_space<vmem>>[vector<16xi32>], vector<16xf32>,
      %gather3A_40 = tpu.vector_load_idx %arg23[%get3A_28] : memref<8192xf32, #tpu.memory_space<vmem>>[vector<16xi32>], vector<16xf32>,
      %gather3A_41 = tpu.vector_load_idx %arg24[%get3A_28] : memref<8192xf32, #tpu.memory_space<vmem>>[vector<16xi32>], vector<16xf32>,
      %mul3A_42 = arith.mulf %gather3A_39, %mul3A_36 : vector<16xf32>
      %add3A_43 = arith.addf %gather3A, %mul3A_42 : vector<16xf32>
      %swap3A = arith.index_cast %mul3A_27 : i32 to index
      %swap3A_44 = tpu.vector_load %arg28[%swap3A] {strides = array<i32>} : memref<4096xf32, #tpu.memory_space<vmem>>, vector<16xf32>,
      tpu.vector_store %arg28[%swap3A], %add3A_43 {strides = array<i32>} : memref<4096xf32, #tpu.memory_space<vmem>>, vector<16xf32>,
      %mul3A_45 = arith.mulf %gather3A_40, %mul3A_36 : vector<16xf32>
      %add3A_46 = arith.addf %gather3A_37, %mul3A_45 : vector<16xf32>
      %swap3A_47 = arith.index_cast %mul3A_27 : i32 to index
      %swap3A_48 = tpu.vector_load %arg29[%swap3A_47] {strides = array<i32>} : memref<4096xf32, #tpu.memory_space<vmem>>, vector<16xf32>,
      tpu.vector_store %arg29[%swap3A_47], %add3A_46 {strides = array<i32>} : memref<4096xf32, #tpu.memory_space<vmem>>, vector<16xf32>,
      %mul3A_49 = arith.mulf %gather3A_41, %mul3A_36 : vector<16xf32>
      %add3A_50 = arith.addf %gather3A_38, %mul3A_49 : vector<16xf32>
      %swap3A_51 = arith.index_cast %mul3A_27 : i32 to index
      %swap3A_52 = tpu.vector_load %arg30[%swap3A_51] {strides = array<i32>} : memref<4096xf32, #tpu.memory_space<vmem>>, vector<16xf32>,
      tpu.vector_store %arg30[%swap3A_51], %add3A_50 {strides = array<i32>} : memref<4096xf32, #tpu.memory_space<vmem>>, vector<16xf32>,
      %swap3A_53 = arith.index_cast %mul3A_27 : i32 to index
      %swap3A_54 = tpu.vector_load %arg31[%swap3A_53] {strides = array<i32>} : memref<4096xf32, #tpu.memory_space<vmem>>, vector<16xf32>,
      tpu.vector_store %arg31[%swap3A_53], %gather3A_39 {strides = array<i32>} : memref<4096xf32, #tpu.memory_space<vmem>>, vector<16xf32>,
      %swap3A_55 = arith.index_cast %mul3A_27 : i32 to index
      %swap3A_56 = tpu.vector_load %arg32[%swap3A_55] {strides = array<i32>} : memref<4096xf32, #tpu.memory_space<vmem>>, vector<16xf32>,
      tpu.vector_store %arg32[%swap3A_55], %gather3A_40 {strides = array<i32>} : memref<4096xf32, #tpu.memory_space<vmem>>, vector<16xf32>,
      %swap3A_57 = arith.index_cast %mul3A_27 : i32 to index
      %swap3A_58 = tpu.vector_load %arg33[%swap3A_57] {strides = array<i32>} : memref<4096xf32, #tpu.memory_space<vmem>>, vector<16xf32>,
      tpu.vector_store %arg33[%swap3A_57], %gather3A_41 {strides = array<i32>} : memref<4096xf32, #tpu.memory_space<vmem>>, vector<16xf32>,
      %sub3A = arith.subf %get3A_32, %get3A_30 : vector<16xf32>
      %swap3A_59 = arith.index_cast %mul3A_27 : i32 to index
      %swap3A_60 = tpu.vector_load %arg34[%swap3A_59] {strides = array<i32>} : memref<4096xf32, #tpu.memory_space<vmem>>, vector<16xf32>,
      tpu.vector_store %arg34[%swap3A_59], %sub3A {strides = array<i32>} : memref<4096xf32, #tpu.memory_space<vmem>>, vector<16xf32>,
      %swap3A_61 = arith.index_cast %mul3A_27 : i32 to index
      %swap3A_62 = tpu.vector_load %arg35[%swap3A_61] {strides = array<i32>} : memref<4096xf32, #tpu.memory_space<vmem>>, vector<16xf32>,
      tpu.vector_store %arg35[%swap3A_61], %mul3A_36 {strides = array<i32>} : memref<4096xf32, #tpu.memory_space<vmem>>, vector<16xf32>,
      %scan3A_63 = arith.constant 0 : i32
      scf.yield %scan3A_63 : i32
    }
    %scan3A_8 = arith.constant 256 : i32
    %add3A_9 = arith.constant 0 : i32
    %add3A_10 = arith.addi %mul3A_2, %add3A_9 : i32
    "tpu.region"() ({
      %run_scoped3A = tpu.sem_alloc : memref<!tpu.dma_semaphore, #tpu.memory_space<semaphore_mem>>
      %dma_start3A = tpu.memref_slice %arg11[%add3A_10] : memref<262144xf32, #tpu.memory_space<hbm>> -> memref<4096xf32, #tpu.memory_space<hbm>>
      %dma_start3A_20 = tpu.memref_slice %arg11[%add3A_10] : memref<262144xf32, #tpu.memory_space<hbm>> -> memref<4096xf32, #tpu.memory_space<hbm>>
      tpu.enqueue_dma source(%arg28 : memref<4096xf32, #tpu.memory_space<vmem>>) target(%dma_start3A_20 : memref<4096xf32, #tpu.memory_space<hbm>>) target_semaphore(%run_scoped3A : memref<!tpu.dma_semaphore, #tpu.memory_space<semaphore_mem>>)
      %dma_wait3A = tpu.memref_slice %arg11[%add3A_10] : memref<262144xf32, #tpu.memory_space<hbm>> -> memref<4096xf32, #tpu.memory_space<hbm>>
      %dma_wait3A_21 = tpu.memref_slice %arg11[%add3A_10] : memref<262144xf32, #tpu.memory_space<hbm>> -> memref<4096xf32, #tpu.memory_space<hbm>>
      tpu.wait_dma2 semaphore(%run_scoped3A : memref<!tpu.dma_semaphore, #tpu.memory_space<semaphore_mem>>) src(%arg28 : memref<4096xf32, #tpu.memory_space<vmem>>) dst(%dma_wait3A_21 : memref<4096xf32, #tpu.memory_space<hbm>>)
      tpu.yield
    }) : () -> ()
    "tpu.region"() ({
      %run_scoped3A = tpu.sem_alloc : memref<!tpu.dma_semaphore, #tpu.memory_space<semaphore_mem>>
      %dma_start3A = tpu.memref_slice %arg12[%add3A_10] : memref<262144xf32, #tpu.memory_space<hbm>> -> memref<4096xf32, #tpu.memory_space<hbm>>
      %dma_start3A_20 = tpu.memref_slice %arg12[%add3A_10] : memref<262144xf32, #tpu.memory_space<hbm>> -> memref<4096xf32, #tpu.memory_space<hbm>>
      tpu.enqueue_dma source(%arg29 : memref<4096xf32, #tpu.memory_space<vmem>>) target(%dma_start3A_20 : memref<4096xf32, #tpu.memory_space<hbm>>) target_semaphore(%run_scoped3A : memref<!tpu.dma_semaphore, #tpu.memory_space<semaphore_mem>>)
      %dma_wait3A = tpu.memref_slice %arg12[%add3A_10] : memref<262144xf32, #tpu.memory_space<hbm>> -> memref<4096xf32, #tpu.memory_space<hbm>>
      %dma_wait3A_21 = tpu.memref_slice %arg12[%add3A_10] : memref<262144xf32, #tpu.memory_space<hbm>> -> memref<4096xf32, #tpu.memory_space<hbm>>
      tpu.wait_dma2 semaphore(%run_scoped3A : memref<!tpu.dma_semaphore, #tpu.memory_space<semaphore_mem>>) src(%arg29 : memref<4096xf32, #tpu.memory_space<vmem>>) dst(%dma_wait3A_21 : memref<4096xf32, #tpu.memory_space<hbm>>)
      tpu.yield
    }) : () -> ()
    "tpu.region"() ({
      %run_scoped3A = tpu.sem_alloc : memref<!tpu.dma_semaphore, #tpu.memory_space<semaphore_mem>>
      %dma_start3A = tpu.memref_slice %arg13[%add3A_10] : memref<262144xf32, #tpu.memory_space<hbm>> -> memref<4096xf32, #tpu.memory_space<hbm>>
      %dma_start3A_20 = tpu.memref_slice %arg13[%add3A_10] : memref<262144xf32, #tpu.memory_space<hbm>> -> memref<4096xf32, #tpu.memory_space<hbm>>
      tpu.enqueue_dma source(%arg30 : memref<4096xf32, #tpu.memory_space<vmem>>) target(%dma_start3A_20 : memref<4096xf32, #tpu.memory_space<hbm>>) target_semaphore(%run_scoped3A : memref<!tpu.dma_semaphore, #tpu.memory_space<semaphore_mem>>)
      %dma_wait3A = tpu.memref_slice %arg13[%add3A_10] : memref<262144xf32, #tpu.memory_space<hbm>> -> memref<4096xf32, #tpu.memory_space<hbm>>
      %dma_wait3A_21 = tpu.memref_slice %arg13[%add3A_10] : memref<262144xf32, #tpu.memory_space<hbm>> -> memref<4096xf32, #tpu.memory_space<hbm>>
      tpu.wait_dma2 semaphore(%run_scoped3A : memref<!tpu.dma_semaphore, #tpu.memory_space<semaphore_mem>>) src(%arg30 : memref<4096xf32, #tpu.memory_space<vmem>>) dst(%dma_wait3A_21 : memref<4096xf32, #tpu.memory_space<hbm>>)
      tpu.yield
    }) : () -> ()
    "tpu.region"() ({
      %run_scoped3A = tpu.sem_alloc : memref<!tpu.dma_semaphore, #tpu.memory_space<semaphore_mem>>
      %dma_start3A = tpu.memref_slice %arg14[%add3A_10] : memref<262144xf32, #tpu.memory_space<hbm>> -> memref<4096xf32, #tpu.memory_space<hbm>>
      %dma_start3A_20 = tpu.memref_slice %arg14[%add3A_10] : memref<262144xf32, #tpu.memory_space<hbm>> -> memref<4096xf32, #tpu.memory_space<hbm>>
      tpu.enqueue_dma source(%arg31 : memref<4096xf32, #tpu.memory_space<vmem>>) target(%dma_start3A_20 : memref<4096xf32, #tpu.memory_space<hbm>>) target_semaphore(%run_scoped3A : memref<!tpu.dma_semaphore, #tpu.memory_space<semaphore_mem>>)
      %dma_wait3A = tpu.memref_slice %arg14[%add3A_10] : memref<262144xf32, #tpu.memory_space<hbm>> -> memref<4096xf32, #tpu.memory_space<hbm>>
      %dma_wait3A_21 = tpu.memref_slice %arg14[%add3A_10] : memref<262144xf32, #tpu.memory_space<hbm>> -> memref<4096xf32, #tpu.memory_space<hbm>>
      tpu.wait_dma2 semaphore(%run_scoped3A : memref<!tpu.dma_semaphore, #tpu.memory_space<semaphore_mem>>) src(%arg31 : memref<4096xf32, #tpu.memory_space<vmem>>) dst(%dma_wait3A_21 : memref<4096xf32, #tpu.memory_space<hbm>>)
      tpu.yield
    }) : () -> ()
    "tpu.region"() ({
      %run_scoped3A = tpu.sem_alloc : memref<!tpu.dma_semaphore, #tpu.memory_space<semaphore_mem>>
      %dma_start3A = tpu.memref_slice %arg15[%add3A_10] : memref<262144xf32, #tpu.memory_space<hbm>> -> memref<4096xf32, #tpu.memory_space<hbm>>
      %dma_start3A_20 = tpu.memref_slice %arg15[%add3A_10] : memref<262144xf32, #tpu.memory_space<hbm>> -> memref<4096xf32, #tpu.memory_space<hbm>>
      tpu.enqueue_dma source(%arg32 : memref<4096xf32, #tpu.memory_space<vmem>>) target(%dma_start3A_20 : memref<4096xf32, #tpu.memory_space<hbm>>) target_semaphore(%run_scoped3A : memref<!tpu.dma_semaphore, #tpu.memory_space<semaphore_mem>>)
      %dma_wait3A = tpu.memref_slice %arg15[%add3A_10] : memref<262144xf32, #tpu.memory_space<hbm>> -> memref<4096xf32, #tpu.memory_space<hbm>>
      %dma_wait3A_21 = tpu.memref_slice %arg15[%add3A_10] : memref<262144xf32, #tpu.memory_space<hbm>> -> memref<4096xf32, #tpu.memory_space<hbm>>
      tpu.wait_dma2 semaphore(%run_scoped3A : memref<!tpu.dma_semaphore, #tpu.memory_space<semaphore_mem>>) src(%arg32 : memref<4096xf32, #tpu.memory_space<vmem>>) dst(%dma_wait3A_21 : memref<4096xf32, #tpu.memory_space<hbm>>)
      tpu.yield
    }) : () -> ()
    "tpu.region"() ({
      %run_scoped3A = tpu.sem_alloc : memref<!tpu.dma_semaphore, #tpu.memory_space<semaphore_mem>>
      %dma_start3A = tpu.memref_slice %arg16[%add3A_10] : memref<262144xf32, #tpu.memory_space<hbm>> -> memref<4096xf32, #tpu.memory_space<hbm>>
      %dma_start3A_20 = tpu.memref_slice %arg16[%add3A_10] : memref<262144xf32, #tpu.memory_space<hbm>> -> memref<4096xf32, #tpu.memory_space<hbm>>
      tpu.enqueue_dma source(%arg33 : memref<4096xf32, #tpu.memory_space<vmem>>) target(%dma_start3A_20 : memref<4096xf32, #tpu.memory_space<hbm>>) target_semaphore(%run_scoped3A : memref<!tpu.dma_semaphore, #tpu.memory_space<semaphore_mem>>)
      %dma_wait3A = tpu.memref_slice %arg16[%add3A_10] : memref<262144xf32, #tpu.memory_space<hbm>> -> memref<4096xf32, #tpu.memory_space<hbm>>
      %dma_wait3A_21 = tpu.memref_slice %arg16[%add3A_10] : memref<262144xf32, #tpu.memory_space<hbm>> -> memref<4096xf32, #tpu.memory_space<hbm>>
      tpu.wait_dma2 semaphore(%run_scoped3A : memref<!tpu.dma_semaphore, #tpu.memory_space<semaphore_mem>>) src(%arg33 : memref<4096xf32, #tpu.memory_space<vmem>>) dst(%dma_wait3A_21 : memref<4096xf32, #tpu.memory_space<hbm>>)
      tpu.yield
    }) : () -> ()
    "tpu.region"() ({
      %run_scoped3A = tpu.sem_alloc : memref<!tpu.dma_semaphore, #tpu.memory_space<semaphore_mem>>
      %dma_start3A = tpu.memref_slice %arg17[%add3A_10] : memref<262144xf32, #tpu.memory_space<hbm>> -> memref<4096xf32, #tpu.memory_space<hbm>>
      %dma_start3A_20 = tpu.memref_slice %arg17[%add3A_10] : memref<262144xf32, #tpu.memory_space<hbm>> -> memref<4096xf32, #tpu.memory_space<hbm>>
      tpu.enqueue_dma source(%arg34 : memref<4096xf32, #tpu.memory_space<vmem>>) target(%dma_start3A_20 : memref<4096xf32, #tpu.memory_space<hbm>>) target_semaphore(%run_scoped3A : memref<!tpu.dma_semaphore, #tpu.memory_space<semaphore_mem>>)
      %dma_wait3A = tpu.memref_slice %arg17[%add3A_10] : memref<262144xf32, #tpu.memory_space<hbm>> -> memref<4096xf32, #tpu.memory_space<hbm>>
      %dma_wait3A_21 = tpu.memref_slice %arg17[%add3A_10] : memref<262144xf32, #tpu.memory_space<hbm>> -> memref<4096xf32, #tpu.memory_space<hbm>>
      tpu.wait_dma2 semaphore(%run_scoped3A : memref<!tpu.dma_semaphore, #tpu.memory_space<semaphore_mem>>) src(%arg34 : memref<4096xf32, #tpu.memory_space<vmem>>) dst(%dma_wait3A_21 : memref<4096xf32, #tpu.memory_space<hbm>>)
      tpu.yield
    }) : () -> ()
    "tpu.region"() ({
      %run_scoped3A = tpu.sem_alloc : memref<!tpu.dma_semaphore, #tpu.memory_space<semaphore_mem>>
      %dma_start3A = tpu.memref_slice %arg18[%add3A_10] : memref<262144xf32, #tpu.memory_space<hbm>> -> memref<4096xf32, #tpu.memory_space<hbm>>
      %dma_start3A_20 = tpu.memref_slice %arg18[%add3A_10] : memref<262144xf32, #tpu.memory_space<hbm>> -> memref<4096xf32, #tpu.memory_space<hbm>>
      tpu.enqueue_dma source(%arg35 : memref<4096xf32, #tpu.memory_space<vmem>>) target(%dma_start3A_20 : memref<4096xf32, #tpu.memory_space<hbm>>) target_semaphore(%run_scoped3A : memref<!tpu.dma_semaphore, #tpu.memory_space<semaphore_mem>>)
      %dma_wait3A = tpu.memref_slice %arg18[%add3A_10] : memref<262144xf32, #tpu.memory_space<hbm>> -> memref<4096xf32, #tpu.memory_space<hbm>>
      %dma_wait3A_21 = tpu.memref_slice %arg18[%add3A_10] : memref<262144xf32, #tpu.memory_space<hbm>> -> memref<4096xf32, #tpu.memory_space<hbm>>
      tpu.wait_dma2 semaphore(%run_scoped3A : memref<!tpu.dma_semaphore, #tpu.memory_space<semaphore_mem>>) src(%arg35 : memref<4096xf32, #tpu.memory_space<vmem>>) dst(%dma_wait3A_21 : memref<4096xf32, #tpu.memory_space<hbm>>)
      tpu.yield
    }) : () -> ()
    %scan3A_11 = arith.constant 0 : i32
    %scan3A_12 = arith.constant 0 : i32
    %scan3A_13 = arith.constant 256 : i32
    %scan3A_14 = arith.addi %scan3A_12, %scan3A_13 : i32
    %scan3A_15 = arith.constant 1 : i32
    %scan3A_16 = scf.for %scan3A_20 = %scan3A_12 to %scan3A_14 step %scan3A_15 iter_args(%scan3A_21 = %scan3A_11) -> (i32)  : i32 {
      %mul3A_22 = arith.constant 16 : i32
      %mul3A_23 = arith.muli %scan3A_20, %mul3A_22 : i32
      %add3A_24 = arith.constant 4096 : i32
      %add3A_25 = arith.addi %add3A_24, %mul3A_23 : i32
      %mul3A_26 = arith.constant 16 : i32
      %mul3A_27 = arith.muli %scan3A_20, %mul3A_26 : i32
      %get3A = arith.index_cast %add3A_25 : i32 to index
      %get3A_28 = tpu.vector_load %arg25[%get3A] {strides = array<i32>} : memref<8192xi32, #tpu.memory_space<vmem>>, vector<16xi32>,
      %get3A_29 = arith.index_cast %add3A_25 : i32 to index
      %get3A_30 = tpu.vector_load %arg26[%get3A_29] {strides = array<i32>} : memref<8192xf32, #tpu.memory_space<vmem>>, vector<16xf32>,
      %get3A_31 = arith.index_cast %add3A_25 : i32 to index
      %get3A_32 = tpu.vector_load %arg27[%get3A_31] {strides = array<i32>} : memref<8192xf32, #tpu.memory_space<vmem>>, vector<16xf32>,
      %add3A_33 = arith.addf %get3A_30, %get3A_32 : vector<16xf32>
      %mul3A_34 = arith.constant 5.000000e-01 : f32
      %mul3A_35 = vector.broadcast %mul3A_34 : f32 to vector<16xf32>
      %mul3A_36 = arith.mulf %add3A_33, %mul3A_35 : vector<16xf32>
      %gather3A = tpu.vector_load_idx %arg19[%get3A_28] : memref<8192xf32, #tpu.memory_space<vmem>>[vector<16xi32>], vector<16xf32>,
      %gather3A_37 = tpu.vector_load_idx %arg20[%get3A_28] : memref<8192xf32, #tpu.memory_space<vmem>>[vector<16xi32>], vector<16xf32>,
      %gather3A_38 = tpu.vector_load_idx %arg21[%get3A_28] : memref<8192xf32, #tpu.memory_space<vmem>>[vector<16xi32>], vector<16xf32>,
      %gather3A_39 = tpu.vector_load_idx %arg22[%get3A_28] : memref<8192xf32, #tpu.memory_space<vmem>>[vector<16xi32>], vector<16xf32>,
      %gather3A_40 = tpu.vector_load_idx %arg23[%get3A_28] : memref<8192xf32, #tpu.memory_space<vmem>>[vector<16xi32>], vector<16xf32>,
      %gather3A_41 = tpu.vector_load_idx %arg24[%get3A_28] : memref<8192xf32, #tpu.memory_space<vmem>>[vector<16xi32>], vector<16xf32>,
      %mul3A_42 = arith.mulf %gather3A_39, %mul3A_36 : vector<16xf32>
      %add3A_43 = arith.addf %gather3A, %mul3A_42 : vector<16xf32>
      %swap3A = arith.index_cast %mul3A_27 : i32 to index
      %swap3A_44 = tpu.vector_load %arg28[%swap3A] {strides = array<i32>} : memref<4096xf32, #tpu.memory_space<vmem>>, vector<16xf32>,
      tpu.vector_store %arg28[%swap3A], %add3A_43 {strides = array<i32>} : memref<4096xf32, #tpu.memory_space<vmem>>, vector<16xf32>,
      %mul3A_45 = arith.mulf %gather3A_40, %mul3A_36 : vector<16xf32>
      %add3A_46 = arith.addf %gather3A_37, %mul3A_45 : vector<16xf32>
      %swap3A_47 = arith.index_cast %mul3A_27 : i32 to index
      %swap3A_48 = tpu.vector_load %arg29[%swap3A_47] {strides = array<i32>} : memref<4096xf32, #tpu.memory_space<vmem>>, vector<16xf32>,
      tpu.vector_store %arg29[%swap3A_47], %add3A_46 {strides = array<i32>} : memref<4096xf32, #tpu.memory_space<vmem>>, vector<16xf32>,
      %mul3A_49 = arith.mulf %gather3A_41, %mul3A_36 : vector<16xf32>
      %add3A_50 = arith.addf %gather3A_38, %mul3A_49 : vector<16xf32>
      %swap3A_51 = arith.index_cast %mul3A_27 : i32 to index
      %swap3A_52 = tpu.vector_load %arg30[%swap3A_51] {strides = array<i32>} : memref<4096xf32, #tpu.memory_space<vmem>>, vector<16xf32>,
      tpu.vector_store %arg30[%swap3A_51], %add3A_50 {strides = array<i32>} : memref<4096xf32, #tpu.memory_space<vmem>>, vector<16xf32>,
      %swap3A_53 = arith.index_cast %mul3A_27 : i32 to index
      %swap3A_54 = tpu.vector_load %arg31[%swap3A_53] {strides = array<i32>} : memref<4096xf32, #tpu.memory_space<vmem>>, vector<16xf32>,
      tpu.vector_store %arg31[%swap3A_53], %gather3A_39 {strides = array<i32>} : memref<4096xf32, #tpu.memory_space<vmem>>, vector<16xf32>,
      %swap3A_55 = arith.index_cast %mul3A_27 : i32 to index
      %swap3A_56 = tpu.vector_load %arg32[%swap3A_55] {strides = array<i32>} : memref<4096xf32, #tpu.memory_space<vmem>>, vector<16xf32>,
      tpu.vector_store %arg32[%swap3A_55], %gather3A_40 {strides = array<i32>} : memref<4096xf32, #tpu.memory_space<vmem>>, vector<16xf32>,
      %swap3A_57 = arith.index_cast %mul3A_27 : i32 to index
      %swap3A_58 = tpu.vector_load %arg33[%swap3A_57] {strides = array<i32>} : memref<4096xf32, #tpu.memory_space<vmem>>, vector<16xf32>,
      tpu.vector_store %arg33[%swap3A_57], %gather3A_41 {strides = array<i32>} : memref<4096xf32, #tpu.memory_space<vmem>>, vector<16xf32>,
      %sub3A = arith.subf %get3A_32, %get3A_30 : vector<16xf32>
      %swap3A_59 = arith.index_cast %mul3A_27 : i32 to index
      %swap3A_60 = tpu.vector_load %arg34[%swap3A_59] {strides = array<i32>} : memref<4096xf32, #tpu.memory_space<vmem>>, vector<16xf32>,
      tpu.vector_store %arg34[%swap3A_59], %sub3A {strides = array<i32>} : memref<4096xf32, #tpu.memory_space<vmem>>, vector<16xf32>,
      %swap3A_61 = arith.index_cast %mul3A_27 : i32 to index
      %swap3A_62 = tpu.vector_load %arg35[%swap3A_61] {strides = array<i32>} : memref<4096xf32, #tpu.memory_space<vmem>>, vector<16xf32>,
      tpu.vector_store %arg35[%swap3A_61], %mul3A_36 {strides = array<i32>} : memref<4096xf32, #tpu.memory_space<vmem>>, vector<16xf32>,
      %scan3A_63 = arith.constant 0 : i32
      scf.yield %scan3A_63 : i32
    }
    %scan3A_17 = arith.constant 256 : i32
    %add3A_18 = arith.constant 4096 : i32
    %add3A_19 = arith.addi %mul3A_2, %add3A_18 : i32
    "tpu.region"() ({
      %run_scoped3A = tpu.sem_alloc : memref<!tpu.dma_semaphore, #tpu.memory_space<semaphore_mem>>
      %dma_start3A = tpu.memref_slice %arg11[%add3A_19] : memref<262144xf32, #tpu.memory_space<hbm>> -> memref<4096xf32, #tpu.memory_space<hbm>>
      %dma_start3A_20 = tpu.memref_slice %arg11[%add3A_19] : memref<262144xf32, #tpu.memory_space<hbm>> -> memref<4096xf32, #tpu.memory_space<hbm>>
      tpu.enqueue_dma source(%arg28 : memref<4096xf32, #tpu.memory_space<vmem>>) target(%dma_start3A_20 : memref<4096xf32, #tpu.memory_space<hbm>>) target_semaphore(%run_scoped3A : memref<!tpu.dma_semaphore, #tpu.memory_space<semaphore_mem>>)
      %dma_wait3A = tpu.memref_slice %arg11[%add3A_19] : memref<262144xf32, #tpu.memory_space<hbm>> -> memref<4096xf32, #tpu.memory_space<hbm>>
      %dma_wait3A_21 = tpu.memref_slice %arg11[%add3A_19] : memref<262144xf32, #tpu.memory_space<hbm>> -> memref<4096xf32, #tpu.memory_space<hbm>>
      tpu.wait_dma2 semaphore(%run_scoped3A : memref<!tpu.dma_semaphore, #tpu.memory_space<semaphore_mem>>) src(%arg28 : memref<4096xf32, #tpu.memory_space<vmem>>) dst(%dma_wait3A_21 : memref<4096xf32, #tpu.memory_space<hbm>>)
      tpu.yield
    }) : () -> ()
    "tpu.region"() ({
      %run_scoped3A = tpu.sem_alloc : memref<!tpu.dma_semaphore, #tpu.memory_space<semaphore_mem>>
      %dma_start3A = tpu.memref_slice %arg12[%add3A_19] : memref<262144xf32, #tpu.memory_space<hbm>> -> memref<4096xf32, #tpu.memory_space<hbm>>
      %dma_start3A_20 = tpu.memref_slice %arg12[%add3A_19] : memref<262144xf32, #tpu.memory_space<hbm>> -> memref<4096xf32, #tpu.memory_space<hbm>>
      tpu.enqueue_dma source(%arg29 : memref<4096xf32, #tpu.memory_space<vmem>>) target(%dma_start3A_20 : memref<4096xf32, #tpu.memory_space<hbm>>) target_semaphore(%run_scoped3A : memref<!tpu.dma_semaphore, #tpu.memory_space<semaphore_mem>>)
      %dma_wait3A = tpu.memref_slice %arg12[%add3A_19] : memref<262144xf32, #tpu.memory_space<hbm>> -> memref<4096xf32, #tpu.memory_space<hbm>>
      %dma_wait3A_21 = tpu.memref_slice %arg12[%add3A_19] : memref<262144xf32, #tpu.memory_space<hbm>> -> memref<4096xf32, #tpu.memory_space<hbm>>
      tpu.wait_dma2 semaphore(%run_scoped3A : memref<!tpu.dma_semaphore, #tpu.memory_space<semaphore_mem>>) src(%arg29 : memref<4096xf32, #tpu.memory_space<vmem>>) dst(%dma_wait3A_21 : memref<4096xf32, #tpu.memory_space<hbm>>)
      tpu.yield
    }) : () -> ()
    "tpu.region"() ({
      %run_scoped3A = tpu.sem_alloc : memref<!tpu.dma_semaphore, #tpu.memory_space<semaphore_mem>>
      %dma_start3A = tpu.memref_slice %arg13[%add3A_19] : memref<262144xf32, #tpu.memory_space<hbm>> -> memref<4096xf32, #tpu.memory_space<hbm>>
      %dma_start3A_20 = tpu.memref_slice %arg13[%add3A_19] : memref<262144xf32, #tpu.memory_space<hbm>> -> memref<4096xf32, #tpu.memory_space<hbm>>
      tpu.enqueue_dma source(%arg30 : memref<4096xf32, #tpu.memory_space<vmem>>) target(%dma_start3A_20 : memref<4096xf32, #tpu.memory_space<hbm>>) target_semaphore(%run_scoped3A : memref<!tpu.dma_semaphore, #tpu.memory_space<semaphore_mem>>)
      %dma_wait3A = tpu.memref_slice %arg13[%add3A_19] : memref<262144xf32, #tpu.memory_space<hbm>> -> memref<4096xf32, #tpu.memory_space<hbm>>
      %dma_wait3A_21 = tpu.memref_slice %arg13[%add3A_19] : memref<262144xf32, #tpu.memory_space<hbm>> -> memref<4096xf32, #tpu.memory_space<hbm>>
      tpu.wait_dma2 semaphore(%run_scoped3A : memref<!tpu.dma_semaphore, #tpu.memory_space<semaphore_mem>>) src(%arg30 : memref<4096xf32, #tpu.memory_space<vmem>>) dst(%dma_wait3A_21 : memref<4096xf32, #tpu.memory_space<hbm>>)
      tpu.yield
    }) : () -> ()
    "tpu.region"() ({
      %run_scoped3A = tpu.sem_alloc : memref<!tpu.dma_semaphore, #tpu.memory_space<semaphore_mem>>
      %dma_start3A = tpu.memref_slice %arg14[%add3A_19] : memref<262144xf32, #tpu.memory_space<hbm>> -> memref<4096xf32, #tpu.memory_space<hbm>>
      %dma_start3A_20 = tpu.memref_slice %arg14[%add3A_19] : memref<262144xf32, #tpu.memory_space<hbm>> -> memref<4096xf32, #tpu.memory_space<hbm>>
      tpu.enqueue_dma source(%arg31 : memref<4096xf32, #tpu.memory_space<vmem>>) target(%dma_start3A_20 : memref<4096xf32, #tpu.memory_space<hbm>>) target_semaphore(%run_scoped3A : memref<!tpu.dma_semaphore, #tpu.memory_space<semaphore_mem>>)
      %dma_wait3A = tpu.memref_slice %arg14[%add3A_19] : memref<262144xf32, #tpu.memory_space<hbm>> -> memref<4096xf32, #tpu.memory_space<hbm>>
      %dma_wait3A_21 = tpu.memref_slice %arg14[%add3A_19] : memref<262144xf32, #tpu.memory_space<hbm>> -> memref<4096xf32, #tpu.memory_space<hbm>>
      tpu.wait_dma2 semaphore(%run_scoped3A : memref<!tpu.dma_semaphore, #tpu.memory_space<semaphore_mem>>) src(%arg31 : memref<4096xf32, #tpu.memory_space<vmem>>) dst(%dma_wait3A_21 : memref<4096xf32, #tpu.memory_space<hbm>>)
      tpu.yield
    }) : () -> ()
    "tpu.region"() ({
      %run_scoped3A = tpu.sem_alloc : memref<!tpu.dma_semaphore, #tpu.memory_space<semaphore_mem>>
      %dma_start3A = tpu.memref_slice %arg15[%add3A_19] : memref<262144xf32, #tpu.memory_space<hbm>> -> memref<4096xf32, #tpu.memory_space<hbm>>
      %dma_start3A_20 = tpu.memref_slice %arg15[%add3A_19] : memref<262144xf32, #tpu.memory_space<hbm>> -> memref<4096xf32, #tpu.memory_space<hbm>>
      tpu.enqueue_dma source(%arg32 : memref<4096xf32, #tpu.memory_space<vmem>>) target(%dma_start3A_20 : memref<4096xf32, #tpu.memory_space<hbm>>) target_semaphore(%run_scoped3A : memref<!tpu.dma_semaphore, #tpu.memory_space<semaphore_mem>>)
      %dma_wait3A = tpu.memref_slice %arg15[%add3A_19] : memref<262144xf32, #tpu.memory_space<hbm>> -> memref<4096xf32, #tpu.memory_space<hbm>>
      %dma_wait3A_21 = tpu.memref_slice %arg15[%add3A_19] : memref<262144xf32, #tpu.memory_space<hbm>> -> memref<4096xf32, #tpu.memory_space<hbm>>
      tpu.wait_dma2 semaphore(%run_scoped3A : memref<!tpu.dma_semaphore, #tpu.memory_space<semaphore_mem>>) src(%arg32 : memref<4096xf32, #tpu.memory_space<vmem>>) dst(%dma_wait3A_21 : memref<4096xf32, #tpu.memory_space<hbm>>)
      tpu.yield
    }) : () -> ()
    "tpu.region"() ({
      %run_scoped3A = tpu.sem_alloc : memref<!tpu.dma_semaphore, #tpu.memory_space<semaphore_mem>>
      %dma_start3A = tpu.memref_slice %arg16[%add3A_19] : memref<262144xf32, #tpu.memory_space<hbm>> -> memref<4096xf32, #tpu.memory_space<hbm>>
      %dma_start3A_20 = tpu.memref_slice %arg16[%add3A_19] : memref<262144xf32, #tpu.memory_space<hbm>> -> memref<4096xf32, #tpu.memory_space<hbm>>
      tpu.enqueue_dma source(%arg33 : memref<4096xf32, #tpu.memory_space<vmem>>) target(%dma_start3A_20 : memref<4096xf32, #tpu.memory_space<hbm>>) target_semaphore(%run_scoped3A : memref<!tpu.dma_semaphore, #tpu.memory_space<semaphore_mem>>)
      %dma_wait3A = tpu.memref_slice %arg16[%add3A_19] : memref<262144xf32, #tpu.memory_space<hbm>> -> memref<4096xf32, #tpu.memory_space<hbm>>
      %dma_wait3A_21 = tpu.memref_slice %arg16[%add3A_19] : memref<262144xf32, #tpu.memory_space<hbm>> -> memref<4096xf32, #tpu.memory_space<hbm>>
      tpu.wait_dma2 semaphore(%run_scoped3A : memref<!tpu.dma_semaphore, #tpu.memory_space<semaphore_mem>>) src(%arg33 : memref<4096xf32, #tpu.memory_space<vmem>>) dst(%dma_wait3A_21 : memref<4096xf32, #tpu.memory_space<hbm>>)
      tpu.yield
    }) : () -> ()
    "tpu.region"() ({
      %run_scoped3A = tpu.sem_alloc : memref<!tpu.dma_semaphore, #tpu.memory_space<semaphore_mem>>
      %dma_start3A = tpu.memref_slice %arg17[%add3A_19] : memref<262144xf32, #tpu.memory_space<hbm>> -> memref<4096xf32, #tpu.memory_space<hbm>>
      %dma_start3A_20 = tpu.memref_slice %arg17[%add3A_19] : memref<262144xf32, #tpu.memory_space<hbm>> -> memref<4096xf32, #tpu.memory_space<hbm>>
      tpu.enqueue_dma source(%arg34 : memref<4096xf32, #tpu.memory_space<vmem>>) target(%dma_start3A_20 : memref<4096xf32, #tpu.memory_space<hbm>>) target_semaphore(%run_scoped3A : memref<!tpu.dma_semaphore, #tpu.memory_space<semaphore_mem>>)
      %dma_wait3A = tpu.memref_slice %arg17[%add3A_19] : memref<262144xf32, #tpu.memory_space<hbm>> -> memref<4096xf32, #tpu.memory_space<hbm>>
      %dma_wait3A_21 = tpu.memref_slice %arg17[%add3A_19] : memref<262144xf32, #tpu.memory_space<hbm>> -> memref<4096xf32, #tpu.memory_space<hbm>>
      tpu.wait_dma2 semaphore(%run_scoped3A : memref<!tpu.dma_semaphore, #tpu.memory_space<semaphore_mem>>) src(%arg34 : memref<4096xf32, #tpu.memory_space<vmem>>) dst(%dma_wait3A_21 : memref<4096xf32, #tpu.memory_space<hbm>>)
      tpu.yield
    }) : () -> ()
    "tpu.region"() ({
      %run_scoped3A = tpu.sem_alloc : memref<!tpu.dma_semaphore, #tpu.memory_space<semaphore_mem>>
      %dma_start3A = tpu.memref_slice %arg18[%add3A_19] : memref<262144xf32, #tpu.memory_space<hbm>> -> memref<4096xf32, #tpu.memory_space<hbm>>
      %dma_start3A_20 = tpu.memref_slice %arg18[%add3A_19] : memref<262144xf32, #tpu.memory_space<hbm>> -> memref<4096xf32, #tpu.memory_space<hbm>>
      tpu.enqueue_dma source(%arg35 : memref<4096xf32, #tpu.memory_space<vmem>>) target(%dma_start3A_20 : memref<4096xf32, #tpu.memory_space<hbm>>) target_semaphore(%run_scoped3A : memref<!tpu.dma_semaphore, #tpu.memory_space<semaphore_mem>>)
      %dma_wait3A = tpu.memref_slice %arg18[%add3A_19] : memref<262144xf32, #tpu.memory_space<hbm>> -> memref<4096xf32, #tpu.memory_space<hbm>>
      %dma_wait3A_21 = tpu.memref_slice %arg18[%add3A_19] : memref<262144xf32, #tpu.memory_space<hbm>> -> memref<4096xf32, #tpu.memory_space<hbm>>
      tpu.wait_dma2 semaphore(%run_scoped3A : memref<!tpu.dma_semaphore, #tpu.memory_space<semaphore_mem>>) src(%arg35 : memref<4096xf32, #tpu.memory_space<vmem>>) dst(%dma_wait3A_21 : memref<4096xf32, #tpu.memory_space<hbm>>)
      tpu.yield
    }) : () -> ()
    return
  }
}

</mosaic_0001>

<sc_bundles>
// kernel: _sc_gather.3.cloned.1.call-start
scs
__scs_entry_jumppad:
0x0: {  	(pc) =	sbr.rel $0x88, $3  }
0x1: {  	(tag) =	ssettag $0x0;
	lr =	simm.s32 $0x1  }
0x2: {  	[smem:$0x3F98] =	sst lr;
	_ =	strace $0xD0000000  }
0x3: {  	_ = 	snop  }
0x4: {  	_ = 	snop  }
0x5: {  	_ = 	snop  }
0x6: {  	_ = 	snop  }
0x7: {  	_ = 	snop  }
__scs_overlays_trampoline_lowered:
0x8: {  	[smem:$0x3FA7] =	sst s0  }
0x9: {  	[smem:$0x3FA8] =	sst s1  }
0xa: {  	[smem:$0x3FA9] =	sst s2  }
0xb: {  	[smem:$0x3FAA] =	sst s3  }
0xc: {  	[smem:$0x3FAB] =	sst s4  }
0xd: {  	[smem:$0x3FAC] =	sst s5  }
0xe: {  	[smem:$0x3FAD] =	sst s6  }
0xf: {  	[smem:$0x3FAE] =	sst s7  }
0x10: {  	[smem:$0x3FAF] =	sst s8  }
0x11: {  	[smem:$0x3FB0] =	sst s9;
	s0 =	simm.s32 @!p0 $0x0  }
0x12: {  	s1 =	sld [smem:$0x3F96];
	s0 =	simm.s32 @p0 $0x1  }
0x13: {  	[smem:$0x3FB1] =	sst s0;
	s0 =	simm.s32 @!p1 $0x0  }
0x14: {  	s2 =	sld [smem:$0x3F95];
	s0 =	simm.s32 @p1 $0x1  }
0x15: {  	[smem:$0x3FB2] =	sst s0;
	s0 =	simm.s32 @!p2 $0x0  }
0x16: {  	s3 =	sld [smem:$0x3FDB];
	s0 =	simm.s32 @p2 $0x1  }
0x17: {  	s4 =	simm.s32 $0x1BF5;
	[smem:$0x3FB4] =	sst s0  }
0x18: {  	s0 =	sld [smem:$0x3F97];
	_ =	swait.ge [sflag:s4], $0x0  }
0x19: {  	s7 =	sld [smem:$0x3F98]  }
0x1a: {  	s8 =	sadd.s32 $0xFFFFE003, lr  }
0x1b: {  	s9 =	sadd.s32 $0xFFFFFEF7, lr;
	s5 =	simm.s32 $0xFFFFFFFF;
	p2 =	slt.u32 s8, $0xFFFFF086  }
0x1c: {  	p1 =	slt.u32 s9, $0xF7A;
	s5 =	simm.s32 @!p2 $0x0  }
0x1d: {  	s5 =	simm.s32 @p1 $0x1;
	p0 =	seq.s32 s7, s2  }
0x1e: {  	s7 =	smul.u32 @!p0 $0xF7A, s2;
	p2 =	seq.s32 @!p0 s5, $0x0  }
0x1f: {  	s9 =	smul.u32 $0xF7A, s1;
	s8 =	simm.s32 @!p0 $0x1BF5;
	p2 =	por !p2, p0  }
0x20: {  	[sflag:s8] =	ssyncset.s32 @!p0 $0xFFFFF086;
	s6 =	sadd.s32 @!p0 s3, s7;
	s7 =	simm.s32 @!p0 $0x108  }
0x21: {  	s3 =	sadd.s32 s3, s9;
	s6 =	sadd.s32 @!p0 $0x88, s6;
	s7 =	simm.s32 @p2 $0x1082  }
0x22: {  	[simem:s7], [sflag:s8] =	dma.local @!p0 [hbm:s6], $0xF7A  }
0x23: {  	s9 =	sor.u32 $0xD0000000, s2;
	s6 =	simm.s32 $0x108;
	_ =	swait.ge @!p0 [sflag:s8], $0x0  }
0x24: {  	s3 =	sadd.s32 $0x88, s3;
	s6 =	simm.s32 @!p1 $0x1082;
	[sflag:s4] =	ssyncset.s32 $0xFFFFF086  }
0x25: {  	[simem:s6], [sflag:s4] =	dma.local [hbm:s3], $0xF7A  }
0x26: {  	[smem:$0x3F98] =	sst s1;
	(tag) =	ssettag s2;
	_ =	strace s9  }
0x27: {  	s1 =	sld [smem:$0x3FA8]  }
0x28: {  	s2 =	sld [smem:$0x3FA9]  }
0x29: {  	s4 =	sld [smem:$0x3FAB]  }
0x2a: {  	p0 =	seq.s32 s5, $0x0;
	s5 =	sld [smem:$0x3FAC]  }
0x2b: {  	s6 =	sld [smem:$0x3FAD]  }
0x2c: {  	s7 =	sld [smem:$0x3FAE]  }
0x2d: {  	s3 =	simm.s32 $0x108;
	s8 =	sld [smem:$0x3FAF]  }
0x2e: {  	s3 =	simm.s32 @!p0 $0x1082;
	s9 =	sld [smem:$0x3FB0]  }
0x2f: {  	lr =	sadd.s32 s0, s3;
	s0 =	sld [smem:$0x3FA7]  }
0x30: {  	s3 =	sld [smem:$0x3FAA]  }
0x31: {  	[smem:$0x3FB3] =	sst s10  }
0x32: {  	s10 =	sld [smem:$0x3FB1];
	_ =	sdelay $0x3  }
0x33: {  	p0 =	seq.s32 s10, $0x1;
	s10 =	sld [smem:$0x3FB3];
	_ =	sdelay $0x3  }
0x34: {  	[smem:$0x3FB3] =	sst s10  }
0x35: {  	s10 =	sld [smem:$0x3FB2];
	_ =	sdelay $0x3  }
0x36: {  	p1 =	seq.s32 s10, $0x1;
	s10 =	sld [smem:$0x3FB3];
	_ =	sdelay $0x3  }
0x37: {  	[smem:$0x3FB3] =	sst s10  }
0x38: {  	s10 =	sld [smem:$0x3FB4]  }
0x39: {  	_ = 	snop;
	(pc) =	sbr.ind lr, $3  }
0x3a: {  	_ = 	snop  }
0x3b: {  	_ = 	snop  }
0x3c: {  	p2 =	seq.s32 s10, $0x1;
	s10 =	sld [smem:$0x3FB3]  }
0x3d: {  	_ =	shalt  }
0x3e: {  	_ =	shalt  }
0x3f: {  	_ =	shalt  }
0x40: {  	_ =	shalt  }
0x41: {  	_ =	shalt  }
0x42: {  	_ =	shalt  }
0x43: {  	_ =	shalt  }
0x44: {  	_ =	shalt  }
0x45: {  	_ =	shalt  }
0x46: {  	_ =	shalt  }
0x47: {  	_ =	shalt  }
0x48: {  	_ =	shalt  }
0x49: {  	_ =	shalt  }
0x4a: {  	_ =	shalt  }
0x4b: {  	_ =	shalt  }
0x4c: {  	_ =	shalt  }
0x4d: {  	_ =	shalt  }
0x4e: {  	_ =	shalt  }
0x4f: {  	_ =	shalt  }
0x50: {  	_ =	shalt  }
0x51: {  	_ =	shalt  }
0x52: {  	_ =	shalt  }
0x53: {  	_ =	shalt  }
0x54: {  	_ =	shalt  }
0x55: {  	_ =	shalt  }
0x56: {  	_ =	shalt  }
0x57: {  	_ =	shalt  }
0x58: {  	_ =	shalt  }
0x59: {  	_ =	shalt  }
0x5a: {  	_ =	shalt  }
0x5b: {  	_ =	shalt  }
0x5c: {  	_ =	shalt  }
0x5d: {  	_ =	shalt  }
0x5e: {  	_ =	shalt  }
0x5f: {  	_ =	shalt  }
0x60: {  	_ =	shalt  }
0x61: {  	_ =	shalt  }
0x62: {  	_ =	shalt  }
0x63: {  	_ =	shalt  }
0x64: {  	_ =	shalt  }
0x65: {  	_ =	shalt  }
0x66: {  	_ =	shalt  }
0x67: {  	_ =	shalt  }
0x68: {  	_ =	shalt  }
0x69: {  	_ =	shalt  }
0x6a: {  	_ =	shalt  }
0x6b: {  	_ =	shalt  }
0x6c: {  	_ =	shalt  }
0x6d: {  	_ =	shalt  }
0x6e: {  	_ =	shalt  }
0x6f: {  	_ =	shalt  }
0x70: {  	_ =	shalt  }
0x71: {  	_ =	shalt  }
0x72: {  	_ =	shalt  }
0x73: {  	_ =	shalt  }
0x74: {  	_ =	shalt  }
0x75: {  	_ =	shalt  }
0x76: {  	_ =	shalt  }
0x77: {  	_ =	shalt  }
0x78: {  	_ =	shalt  }
0x79: {  	_ =	shalt  }
0x7a: {  	_ =	shalt  }
0x7b: {  	_ =	shalt  }
0x7c: {  	_ =	shalt  }
0x7d: {  	_ =	shalt  }
0x7e: {  	_ =	shalt  }
0x7f: {  	_ =	shalt  }
0x80: {  	_ =	shalt  }
0x81: {  	_ =	shalt  }
0x82: {  	_ =	shalt  }
0x83: {  	_ =	shalt  }
0x84: {  	_ =	shalt  }
0x85: {  	_ =	shalt  }
0x86: {  	_ =	shalt  }
0x87: {  	_ =	shalt  }
.Lfunc_end0:
.L_simem_size_0:
called_computation_lowered:
.L_overlay_start_0:
0x88: {  	s2 =	sld [smem:$0x3FD9]  }
0x89: {  	s3 =	sld [smem:$0x3FFE];
	_ =	sdelay $0x1  }
0x8a: {  	s1 =	srdreg.scid  }
0x8b: {  	s0 =	sand.u32 $0x1, s1  }
0x8c: {  	s22 =	sshll.u32 s0, $0xA;
	s2 =	sadd.s32 s3, s2  }
0x8d: {  	s2 =	sadd.s32 s2, s22  }
0x8e: {  	[smem:$0x3FBF] =	sst s2  }
0x8f: {  	_ = 	snop  }
0x90: {  	s2 =	sld [smem:$0x3FC9]  }
0x91: {  	s3 =	sld [smem:$0x3FC8]  }
0x92: {  	s4 =	sld [smem:$0x3FC7]  }
0x93: {  	s5 =	sld [smem:$0x3FC6]  }
0x94: {  	s6 =	sld [smem:$0x3FC5]  }
0x95: {  	s7 =	sld [smem:$0x3FC4]  }
0x96: {  	s11 =	sld [smem:$0x3FD0]  }
0x97: {  	s8 =	sld [smem:$0x3FC3]  }
0x98: {  	s9 =	sld [smem:$0x3FC2]  }
0x99: {  	s16 =	simm.s32 $0xA;
	s12 =	simm.s32 $0x10;
	s10 =	sld [smem:$0x3FC1]  }
0x9a: {  	[smem:s12], [sflag:s16] =	dma.local [hbm:s11], $0x1  }
0x9b: {  	_ =	swait.eq [sflag:s16], $0x1  }
0x9c: {  	s11 =	sld [smem:$0x10]  }
0x9d: {  	s12 =	sld [smem:$0x11]  }
0x9e: {  	s13 =	sld [smem:$0x12]  }
0x9f: {  	s14 =	sld [smem:$0x13]  }
0xa0: {  	s15 =	sld [smem:$0x14]  }
0xa1: {  	s17 =	sld [smem:$0x15];
	[sflag:s16] =	ssyncset.done $0x0  }
0xa2: {  	s18 =	sld [smem:$0x16];
	[sflag:s16] =	ssyncadd.s32 $0xFFFFFFFF  }
0xa3: {  	s19 =	sld [smem:$0x17];
	(tm) =	ssettm $0x1  }
0xa4: {  	s23 =	sld [smem:$0x3FFB];
	_ =	sdelay $0x3  }
0xa5: {  	_ =	strace s23  }
0xa6: {  	s16 =	sld [smem:$0x3FFC];
	_ =	sdelay $0x3  }
0xa7: {  	_ =	strace s16  }
0xa8: {  	s16 =	sld [smem:$0x3FFD];
	_ =	sdelay $0x3  }
0xa9: {  	_ =	strace s16  }
0xaa: {  	_ =	strace $0x8FFFFFFF  }
0xab: {  	s24 =	sld [smem:$0x3FDB];
	_ =	sdelay $0x1  }
0xac: {  	s20 =	simm.s32 $_scs_section_size  }
0xad: {  	s21 =	simm.s32 $_size__tile_task_arg_handler_lowered;
	s22 =	simm.s32 $_tile_task_arg_handler_lowered  }
0xae: {  	s28 =	simm.s32 $0x1BFF;
	s26 =	sshll.u32 s22, $0x1;
	s20 =	sadd.s32 s20, s24  }
0xaf: {  	s25 =	sshll.u32 s21, $0x1;
	s23 =	simm.s32 $0x60;
	s21 =	sadd.s32 s26, s20  }
0xb0: {  	[timem:s23], [sflag:s28] =	dma.local [hbm:s21], s25  }
0xb1: {  	_ =	swait.ge [sflag:s28], s25  }
0xb2: {  	s29 =	simm.s32 $_tile_overlayer_lowered;
	s16 =	ssub.s32 $0x0, s25;
	[sflag:s28] =	ssyncset.done $0x0  }
0xb3: {  	s30 =	simm.s32 $_size__tile_overlayer_lowered;
	s21 =	sshll.u32 s29, $0x1;
	[sflag:s28] =	ssyncadd.s32 s16  }
0xb4: {  	s31 =	sshll.u32 s30, $0x1;
	s21 =	sadd.s32 s21, s20;
	s16 =	simm.s32 $0x0  }
0xb5: {  	[timem:s16], [sflag:s28] =	dma.local [hbm:s21], s31  }
0xb6: {  	_ =	swait.ge [sflag:s28], s31  }
0xb7: {  	s23 =	ssub.s32 $0x0, s31;
	[sflag:s28] =	ssyncset.done $0x0  }
0xb8: {  	[sflag:s28] =	ssyncadd.s32 s23;
	_ =	sdelay $0x1  }
0xb9: {  	s24 =	simm.s32 $0x1B8B  }
0xba: {  	_ =	swait.ge [sflag:s24], $0x1  }
0xbb: {  	[sflag:s24] =	ssyncset.done $0x0  }
0xbc: {  	s25 =	simm.s32 $0x1B8E;
	[sflag:s24] =	ssyncadd.s32 $0xFFFFFFFF  }
0xbd: {  	s26 =	simm.s32 $execute0_lowered;
	[smem:$0x3FD2] =	sst s25  }
0xbe: {  	s21 =	sshll.u32 s26, $0x1;
	_ =	strace $0x80000046;
	[dreg:$0x1] =	wrdreg $0xFFFFFFFF  }
0xbf: {  	s20 =	sadd.s32 s20, s21;
	s28 =	simm.s32 $_size_execute0_lowered;
	[dreg:$0x0] =	wrdreg $0x0  }
0xc0: {  	s21 =	sshll.u32 s28, $0x1;
	[dreg:$0x2] =	wrdreg s20  }
0xc1: {  	[dreg:$0x3] =	wrdreg s21  }
0xc2: {  	[dreg:$0x4] =	wrdreg $0xC0  }
0xc3: {  	_ =	task [dreg:s16], $0x5FFFF  }
0xc4: {  	[dreg:$0x1] =	wrdreg $0xFFFFFFFF  }
0xc5: {  	[dreg:$0x0] =	wrdreg $0x30  }
0xc6: {  	[dreg:$0x2] =	wrdreg $0x0  }
0xc7: {  	[dreg:$0x3] =	wrdreg s17  }
0xc8: {  	[dreg:$0x4] =	wrdreg s18  }
0xc9: {  	[dreg:$0x5] =	wrdreg s19  }
0xca: {  	[dreg:$0x6] =	wrdreg $0x9  }
0xcb: {  	_ =	task [dreg:s16], $0x7FFFF  }
0xcc: {  	[dreg:$0x1] =	wrdreg $0xFFFFFFFF  }
0xcd: {  	[dreg:$0x0] =	wrdreg $0x60  }
0xce: {  	[dreg:$0x2] =	wrdreg s2  }
0xcf: {  	[dreg:$0x3] =	wrdreg s3  }
0xd0: {  	[dreg:$0x4] =	wrdreg s4  }
0xd1: {  	[dreg:$0x5] =	wrdreg s5  }
0xd2: {  	[dreg:$0x6] =	wrdreg s6  }
0xd3: {  	[dreg:$0x7] =	wrdreg s7  }
0xd4: {  	[dreg:$0x8] =	wrdreg s8  }
0xd5: {  	[dreg:$0x9] =	wrdreg s9  }
0xd6: {  	[dreg:$0xa] =	wrdreg s10  }
0xd7: {  	[dreg:$0xb] =	wrdreg s11  }
0xd8: {  	[dreg:$0xc] =	wrdreg s12  }
0xd9: {  	[dreg:$0xd] =	wrdreg s13  }
0xda: {  	[dreg:$0xe] =	wrdreg s14  }
0xdb: {  	[dreg:$0xf] =	wrdreg s15  }
0xdc: {  	_ =	task.clear_ibuf [dreg:s16], $0x10FFFF;
	_ =	strace $0x90000046  }
0xdd: {  	s29 =	simm.s32 $0x9;
	_ =	strace $0x80000048  }
0xde: {  	_ =	swait.ge [sflag:s29], $0x1  }
0xdf: {  	[sflag:s29] =	ssyncadd.s32 $0xFFFFFFFF  }
0xe0: {  	_ =	strace $0x90000048  }
0xe1: {  	_ =	sfence  }
0xe2: {  	s30 =	sld [smem:$0x0];
	_ =	sdelay $0x2  }
0xe3: {  	s31 =	sshll.u32 s1, $0xD;
	s1 =	sshrl.u32 s1, $0x2  }
0xe4: {  	s3 =	sand.u32 $0x4000, s31;
	s1 =	sadd.s32 s1, s30  }
0xe5: {  	s0 =	sor.u32 s3, s0;
	s1 =	sshll.u32 s1, $0x11  }
0xe6: {  	s0 =	sor.u32 s1, s0  }
0xe7: {  	s0 =	sadd.s32 $0x8F2B, s0  }
0xe8: {  	[sflag:s0] =	ssyncadd.remote.s32 $0x1  }
0xe9: {  	_ =	sfence.sel $0xFFFF  }
0xea: {  	[dreg:$0x0] =	wrdreg $0xFFFFFFFF;
	(pc) =	sbr.abs _section_cstart, $3  }
0xeb: {  	[dreg:$0x1] =	wrdreg $0xFFFFFFFF  }
0xec: {  	_ =	task.clear_ibuf [dreg:s16], $0x2FFFF;
	_ =	strace $0x9FFFFFFF  }
0xed: {  	(tm) =	ssettm $0x7FFFFFFF  }
tec
_tile_task_arg_handler_lowered:
.L_overlay_start_1:
0x0: {  	(tag) =	ssettag $0x1  }
0x1: {  	s0 =	rddreg [dreg:$0x0]  }
0x2: {  	s1 =	rddreg [dreg:$0x1]  }
0x3: {  	s2 =	rddreg [dreg:$0x2]  }
0x4: {  	s3 =	rddreg [dreg:$0x3]  }
0x5: {  	s4 =	rddreg [dreg:$0x4]  }
0x6: {  	s5 =	rddreg [dreg:$0x5]  }
0x7: {  	s6 =	rddreg [dreg:$0x6]  }
0x8: {  	s7 =	rddreg [dreg:$0x7]  }
0x9: {  	s8 =	rddreg [dreg:$0x8]  }
0xa: {  	s9 =	rddreg [dreg:$0x9]  }
0xb: {  	s10 =	rddreg [dreg:$0xa]  }
0xc: {  	s11 =	rddreg [dreg:$0xb]  }
0xd: {  	s12 =	rddreg [dreg:$0xc]  }
0xe: {  	s13 =	rddreg [dreg:$0xd]  }
0xf: {  	[smem:s0] =	sst s1  }
0x10: {  	[smem:s0+$0x1] =	sst s2  }
0x11: {  	[smem:s0+$0x2] =	sst s3  }
0x12: {  	[smem:s0+$0x3] =	sst s4  }
0x13: {  	[smem:s0+$0x4] =	sst s5  }
0x14: {  	[smem:s0+$0x5] =	sst s6  }
0x15: {  	[smem:s0+$0x6] =	sst s7  }
0x16: {  	[smem:s0+$0x7] =	sst s8  }
0x17: {  	[smem:s0+$0x8] =	sst s9  }
0x18: {  	[smem:s0+$0x9] =	sst s10  }
0x19: {  	[smem:s0+$0xA] =	sst s11  }
0x1a: {  	[smem:s0+$0xB] =	sst s12  }
0x1b: {  	[smem:s0+$0xC] =	sst s13;
	_ =	shalt  }
.Lfunc_end2:
execute0_lowered:
.L_overlay_start_2:
0x1c: {  	(tag) =	ssettag $0x2  }
0x1d: {  	s0 =	rddreg [dreg:$0x6]  }
0x1e: {  	s1 =	rddreg [dreg:$0x7]  }
0x1f: {  	s2 =	rddreg [dreg:$0x8]  }
0x20: {  	s4 =	rddreg [dreg:$0x9]  }
0x21: {  	s5 =	rddreg [dreg:$0xa]  }
0x22: {  	s6 =	rddreg [dreg:$0xb]  }
0x23: {  	s7 =	rddreg [dreg:$0xc]  }
0x24: {  	s8 =	rddreg [dreg:$0xd];
	s3 =	simm.s32 $0x0;
	s10 =	srdreg.scid  }
0x25: {  	s13 =	stileid.u32;
	[smem:$0x7FF] =	sst s3  }
0x26: {  	s10 =	sand.u32 $0x1, s10;
	s13 =	sshll.u32 s13, $0xB;
	s9 =	sld [smem:$0x0]  }
0x27: {  	s11 =	sld [smem:$0x1];
	s12 =	ssub.s32 $0x2, s10;
	s10 =	sshll.u32 s10, $0xA  }
0x28: {  	s17 =	sld [smem:$0x2];
	s10 =	sor.u32 s10, s13  }
0x29: {  	s24 =	sld [smem:$0x3];
	s0 =	sadd.s32 s0, s10  }
0x2a: {  	s1 =	sadd.s32 s1, s10;
	[dreg:$0xe] =	wrdreg s0  }
0x2b: {  	s2 =	sadd.s32 s2, s10;
	[dreg:$0xf] =	wrdreg s1  }
0x2c: {  	s14 =	sshrl.u32 s12, $0x1;
	s13 =	sadd.s32 s4, s10;
	[dreg:$0x10] =	wrdreg s2  }
0x2d: {  	s12 =	ssub.s32 s12, s14;
	s14 =	sadd.s32 s5, s10;
	[dreg:$0x11] =	wrdreg s13  }
0x2e: {  	s30 =	simm.s32 $0x1;
	s15 =	sadd.s32 s6, s10;
	[dreg:$0x12] =	wrdreg s14  }
0x2f: {  	s31 =	simm.s32 $0x2000;
	s16 =	sadd.s32 s7, s10;
	[dreg:$0x13] =	wrdreg s15  }
0x30: {  	s18 =	sadd.s32 s8, s10;
	s21 =	sor.u32 $0x200, s10;
	[dreg:$0x14] =	wrdreg s16  }
0x31: {  	[dreg:$0x15] =	wrdreg s18;
	s19 =	sadd.s32 s9, s10;
	s20 =	sadd.s32 s11, s10  }
0x32: {  	s15 =	sadd.s32 s17, s10;
	s16 =	sadd.s32 s4, s21;
	s18 =	sadd.s32 s5, s21  }
0x33: {  	s22 =	sadd.s32 s7, s21;
	s23 =	sadd.s32 s8, s21;
	s25 =	sadd.s32 s9, s21  }
0x34: {  	s26 =	sadd.s32 s11, s21;
	[dreg:$0x18] =	wrdreg s24;
	s28 =	sadd.s32 s17, s21  }
0x35: {  	s29 =	smax.u32 s12, $0x1;
	s4 =	simm.s32 $0x4000;
	s0 =	simm.s32 $0x8000  }
0x36: {  	s1 =	simm.s32 $0xA000;
	s24 =	simm.s32 $0x12000;
	s2 =	simm.s32 $0x13000  }
0x37: {  	s17 =	simm.s32 $0x14000;
	s5 =	simm.s32 $0x16000;
	s7 =	simm.s32 $0x18000  }
0x38: {  	s8 =	simm.s32 $0x19000;
	s9 =	simm.s32 $0x0;
	[dreg:$0x16] =	wrdreg s19  }
0x39: {  	[dreg:$0x17] =	wrdreg s20;
	s19 =	sadd.s32 s6, s21;
	s20 =	simm.s32 $0x6000  }
0x3a: {  	s21 =	simm.s32 $0x15000;
	s6 =	simm.s32 $0x17000;
	_ =	strace $0x80000047  }
.LBB3_1:
0x3b: {  	s10 =	rddreg [dreg:$0x0]  }
0x3c: {  	[tilespmem:s3], [sflag:$0x1] =	stream.linear.gather [hbm4b:s10+s3], $0x2000, $0x38;
	[tilespmem:$0x1A000] =	vst v63  }
0x3d: {  	_ =	swait.ge [sflag:s30], $0x2000  }
0x3e: {  	[sflag:s30] =	ssyncset.done $0x0  }
0x3f: {  	[sflag:s30] =	ssyncadd.s32 $0xFFFFE000  }
0x40: {  	s13 =	rddreg [dreg:$0x1]  }
0x41: {  	[tilespmem:s31], [sflag:$0x1] =	stream.linear.gather [hbm4b:s13+s3], $0x2000, $0x38;
	[tilespmem:$0x1A000] =	vst v63  }
0x42: {  	_ =	swait.ge [sflag:s30], $0x2000  }
0x43: {  	[sflag:s30] =	ssyncset.done $0x0  }
0x44: {  	[sflag:s30] =	ssyncadd.s32 $0xFFFFE000  }
0x45: {  	s14 =	rddreg [dreg:$0x2]  }
0x46: {  	[tilespmem:s4], [sflag:$0x1] =	stream.linear.gather [hbm4b:s14+s3], $0x2000, $0x38;
	[tilespmem:$0x1A000] =	vst v63  }
0x47: {  	_ =	swait.ge [sflag:s30], $0x2000  }
0x48: {  	[sflag:s30] =	ssyncset.done $0x0  }
0x49: {  	[sflag:s30] =	ssyncadd.s32 $0xFFFFE000  }
0x4a: {  	s11 =	rddreg [dreg:$0x3]  }
0x4b: {  	[tilespmem:s20], [sflag:$0x1] =	stream.linear.gather [hbm4b:s11+s3], $0x2000, $0x38;
	[tilespmem:$0x1A000] =	vst v63  }
0x4c: {  	_ =	swait.ge [sflag:s30], $0x2000  }
0x4d: {  	[sflag:s30] =	ssyncset.done $0x0  }
0x4e: {  	[sflag:s30] =	ssyncadd.s32 $0xFFFFE000  }
0x4f: {  	s12 =	rddreg [dreg:$0x4]  }
0x50: {  	[tilespmem:s0], [sflag:$0x1] =	stream.linear.gather [hbm4b:s12+s3], $0x2000, $0x38;
	[tilespmem:$0x1A000] =	vst v63  }
0x51: {  	_ =	swait.ge [sflag:s30], $0x2000  }
0x52: {  	[sflag:s30] =	ssyncset.done $0x0  }
0x53: {  	[sflag:s30] =	ssyncadd.s32 $0xFFFFE000  }
0x54: {  	s13 =	rddreg [dreg:$0x5]  }
0x55: {  	[tilespmem:s1], [sflag:$0x1] =	stream.linear.gather [hbm4b:s13+s3], $0x2000, $0x38;
	[tilespmem:$0x1A000] =	vst v63  }
0x56: {  	_ =	swait.ge [sflag:s30], $0x2000  }
0x57: {  	[sflag:s30] =	ssyncset.done $0x0  }
0x58: {  	s11 =	simm.s32 $0xC000;
	s14 =	rddreg [dreg:$0xe];
	[sflag:s30] =	ssyncadd.s32 $0xFFFFE000  }
0x59: {  	[tilespmem:s11], [sflag:$0x1] =	stream.linear.gather [hbm4b:s14+s3], $0x2000, $0x38;
	[tilespmem:$0x1A000] =	vst v63  }
0x5a: {  	_ =	swait.ge [sflag:s30], $0x2000  }
0x5b: {  	[sflag:s30] =	ssyncset.done $0x0  }
0x5c: {  	s12 =	simm.s32 $0xE000;
	s11 =	rddreg [dreg:$0xf];
	[sflag:s30] =	ssyncadd.s32 $0xFFFFE000  }
0x5d: {  	[tilespmem:s12], [sflag:$0x1] =	stream.linear.gather [hbm4b:s11+s3], $0x2000, $0x38;
	[tilespmem:$0x1A000] =	vst v63  }
0x5e: {  	_ =	swait.ge [sflag:s30], $0x2000  }
0x5f: {  	[sflag:s30] =	ssyncset.done $0x0  }
0x60: {  	s14 =	simm.s32 $0x10000;
	s13 =	rddreg [dreg:$0x10];
	[sflag:s30] =	ssyncadd.s32 $0xFFFFE000  }
0x61: {  	[tilespmem:s14], [sflag:$0x1] =	stream.linear.gather [hbm4b:s13+s3], $0x2000, $0x38;
	[tilespmem:$0x1A000] =	vst v63  }
0x62: {  	_ =	swait.ge [sflag:s30], $0x2000  }
0x63: {  	[sflag:s30] =	ssyncset.done $0x0  }
0x64: {  	s12 =	simm.s32 $0x0;
	[sflag:s30] =	ssyncadd.s32 $0xFFFFE000  }
0x65: {  	v0 =	vld [tilespmem:s12+$0xC000];
	_ =	sdelay $0x3  }
0x66: {  	v1 =	vld [tilespmem:s12+$0x10000]  }
0x67: {  	s10 =	simm.s32 $0x10;
	v2 =	vld [tilespmem:s12+$0xE000]  }
0x68: {  	v4 =	vld [tilespmem:s10+$0x10000]  }
0x69: {  	v5 =	vld [tilespmem:s10+$0xE000]  }
0x6a: {  	v6 =	vld.idx.msk [tilespmem:v0+s4+$0x0], $0xffff  }
0x6b: {  	v7 =	vld.idx.msk [tilespmem:v0+s1+$0x0], $0xffff  }
0x6c: {  	v8 =	vld.idx.msk [tilespmem:v0+s20+$0x0], $0xffff  }
0x6d: {  	v11 =	vsub.f32 v1, v2;
	v1 =	vadd.f32 v1, v2;
	v9 =	vld.idx.msk [tilespmem:v0+s0+$0x0], $0xffff  }
0x6e: {  	v10 =	vld.idx.msk [tilespmem:v0+s3+$0x0], $0xffff  }
0x6f: {  	v12 =	vmul.f32 $5.000000000e-01, v1;
	v3 =	vld.idx.msk [tilespmem:v0+s31+$0x0], $0xffff  }
0x70: {  	v0 =	vld [tilespmem:s10+$0xC000];
	[tilespmem:s12+$0x18000] =	vst v11  }
0x71: {  	[tilespmem:s12+$0x17000] =	vst v7;
	v7 =	vmul.f32 v7, v12  }
0x72: {  	v2 =	vadd.f32 v4, v5;
	[tilespmem:s12+$0x19000] =	vst v12;
	v63 =	vmul.f32 v8, v12  }
0x73: {  	v1 =	vsub.f32 v4, v5;
	[tilespmem:s12+$0x15000] =	vst v8;
	v5 =	vmul.f32 v9, v12;
	v6 =	vadd.f32 v7, v6  }
0x74: {  	s11 =	simm.s32 $0x20;
	s13 =	simm.s32 $0xC0;
	[tilespmem:s12+$0x16000] =	vst v9;
	v4 =	vadd.f32 v63, v10  }
.LBB3_2:
0x75: {  	p0 =	sne.s32 s13, $0x3FC0;
	v3 =	vadd.f32 v5, v3;
	[tilespmem:s12+$0x14000] =	vst v6;
	s14 =	smov.u32 s13;
	s13 =	sadd.s32 $0x40, s13  }
0x76: {  	v7 =	vmul.f32 $5.000000000e-01, v2;
	v5 =	vld [tilespmem:s11+$0x10000];
	[tilespmem:s12+$0x12000] =	vst v4  }
0x77: {  	v2 =	vld [tilespmem:s11+$0xE000];
	[tilespmem:s12+$0x13000] =	vst v3;
	s12 =	smov.u32 s10;
	s10 =	smov.u32 s11  }
0x78: {  	v4 =	vld.idx.msk [tilespmem:v0+s4+$0x0], $0xffff  }
0x79: {  	v6 =	vld.idx.msk [tilespmem:v0+s1+$0x0], $0xffff  }
0x7a: {  	v8 =	vld.idx.msk [tilespmem:v0+s20+$0x0], $0xffff  }
0x7b: {  	v9 =	vld.idx.msk [tilespmem:v0+s0+$0x0], $0xffff  }
0x7c: {  	v10 =	vsub.f32 v5, v2;
	v11 =	vld.idx.msk [tilespmem:v0+s3+$0x0], $0xffff  }
0x7d: {  	v2 =	vadd.f32 v5, v2;
	v3 =	vld.idx.msk [tilespmem:v0+s31+$0x0], $0xffff  }
.Ltmp0:
0x7e: {  	s11 =	sshra.s32 s14, $0x2;
	v0 =	vld [tilespmem:s10+$0xC000];
	[tilespmem:s12+$0x18000] =	vst v1;
	v1 =	vmov v10;
	(pc) =	sbr.rel @p0 .LBB3_2-.Ltmp0, $4  }
0x7f: {  	v10 =	vmul.f32 v6, v7;
	[tilespmem:s12+$0x17000] =	vst v6  }
0x80: {  	v12 =	vmul.f32 v8, v7;
	[tilespmem:s12+$0x15000] =	vst v8  }
0x81: {  	v5 =	vmul.f32 v9, v7;
	v6 =	vadd.f32 v10, v4;
	[tilespmem:s12+$0x16000] =	vst v9  }
0x82: {  	v4 =	vadd.f32 v12, v11;
	[tilespmem:s12+$0x19000] =	vst v7  }
0x83: {  	_ = 	snop  }
0x84: {  	[tilespmem:s12+$0x14000] =	vst v6;
	v3 =	vadd.f32 v5, v3  }
0x85: {  	v6 =	vld [tilespmem:s11+$0x10000];
	[tilespmem:s12+$0x12000] =	vst v4  }
0x86: {  	v4 =	vld [tilespmem:s11+$0xE000];
	[tilespmem:s12+$0x13000] =	vst v3  }
0x87: {  	v3 =	vld.idx.msk [tilespmem:v0+s4+$0x0], $0xffff  }
0x88: {  	v5 =	vld.idx.msk [tilespmem:v0+s1+$0x0], $0xffff  }
0x89: {  	v7 =	vld.idx.msk [tilespmem:v0+s20+$0x0], $0xffff  }
0x8a: {  	v8 =	vld.idx.msk [tilespmem:v0+s0+$0x0], $0xffff  }
0x8b: {  	v9 =	vld.idx.msk [tilespmem:v0+s3+$0x0], $0xffff  }
0x8c: {  	v2 =	vmul.f32 $5.000000000e-01, v2;
	v0 =	vld.idx.msk [tilespmem:v0+s31+$0x0], $0xffff  }
0x8d: {  	v10 =	vld [tilespmem:s11+$0xC000];
	[tilespmem:s10+$0x18000] =	vst v1  }
0x8e: {  	[tilespmem:s10+$0x19000] =	vst v2;
	v1 =	vmul.f32 v5, v2  }
0x8f: {  	[tilespmem:s10+$0x17000] =	vst v5;
	v5 =	vmul.f32 v7, v2  }
0x90: {  	[tilespmem:s10+$0x15000] =	vst v7;
	v7 =	vmul.f32 v8, v2;
	v1 =	vadd.f32 v1, v3  }
0x91: {  	[tilespmem:s10+$0x16000] =	vst v8;
	v3 =	vadd.f32 v5, v9  }
0x92: {  	v0 =	vadd.f32 v7, v0;
	[tilespmem:s10+$0x14000] =	vst v1  }
0x93: {  	[tilespmem:s10+$0x12000] =	vst v3  }
0x94: {  	[tilespmem:s10+$0x13000] =	vst v0  }
0x95: {  	v0 =	vld.idx.msk [tilespmem:v10+s4+$0x0], $0xffff  }
0x96: {  	v1 =	vld.idx.msk [tilespmem:v10+s1+$0x0], $0xffff  }
0x97: {  	v3 =	vadd.f32 v6, v4;
	v2 =	vld.idx.msk [tilespmem:v10+s20+$0x0], $0xffff  }
0x98: {  	v4 =	vsub.f32 v6, v4;
	v5 =	vld.idx.msk [tilespmem:v10+s0+$0x0], $0xffff  }
0x99: {  	v6 =	vld.idx.msk [tilespmem:v10+s3+$0x0], $0xffff;
	v3 =	vmul.f32 $5.000000000e-01, v3  }
0x9a: {  	v7 =	vld.idx.msk [tilespmem:v10+s31+$0x0], $0xffff;
	[tilespmem:s11+$0x18000] =	vst v4  }
0x9b: {  	[tilespmem:s11+$0x19000] =	vst v3;
	v4 =	vmul.f32 v1, v3  }
0x9c: {  	[tilespmem:s11+$0x17000] =	vst v1;
	v1 =	vmul.f32 v2, v3  }
0x9d: {  	[tilespmem:s11+$0x15000] =	vst v2;
	v2 =	vmul.f32 v5, v3;
	v0 =	vadd.f32 v4, v0  }
0x9e: {  	[tilespmem:s11+$0x16000] =	vst v5;
	v1 =	vadd.f32 v1, v6  }
0x9f: {  	v2 =	vadd.f32 v2, v7;
	[tilespmem:s11+$0x14000] =	vst v0  }
0xa0: {  	[tilespmem:s11+$0x12000] =	vst v1  }
0xa1: {  	s12 =	rddreg [dreg:$0x11];
	[tilespmem:s11+$0x13000] =	vst v2  }
0xa2: {  	[hbm4b:s12+s3] =	stream.linear.scatter [tilespmem:s24], [sflag:$0x1], $0x1000, $0x38;
	[tilespmem:$0x1A000] =	vst v63  }
0xa3: {  	_ =	swait.ge [sflag:s30], $0x1000  }
0xa4: {  	[sflag:s30] =	ssyncset.done $0x0  }
0xa5: {  	s13 =	rddreg [dreg:$0x12];
	[sflag:s30] =	ssyncadd.s32 $0xFFFFF000  }
0xa6: {  	[hbm4b:s13+s3] =	stream.linear.scatter [tilespmem:s2], [sflag:$0x1], $0x1000, $0x38;
	[tilespmem:$0x1A000] =	vst v63  }
0xa7: {  	_ =	swait.ge [sflag:s30], $0x1000  }
0xa8: {  	[sflag:s30] =	ssyncset.done $0x0  }
0xa9: {  	s14 =	rddreg [dreg:$0x13];
	[sflag:s30] =	ssyncadd.s32 $0xFFFFF000  }
0xaa: {  	[hbm4b:s14+s3] =	stream.linear.scatter [tilespmem:s17], [sflag:$0x1], $0x1000, $0x38;
	[tilespmem:$0x1A000] =	vst v63  }
0xab: {  	_ =	swait.ge [sflag:s30], $0x1000  }
0xac: {  	[sflag:s30] =	ssyncset.done $0x0  }
0xad: {  	s11 =	rddreg [dreg:$0x14];
	[sflag:s30] =	ssyncadd.s32 $0xFFFFF000  }
0xae: {  	[hbm4b:s11+s3] =	stream.linear.scatter [tilespmem:s21], [sflag:$0x1], $0x1000, $0x38;
	[tilespmem:$0x1A000] =	vst v63  }
0xaf: {  	_ =	swait.ge [sflag:s30], $0x1000  }
0xb0: {  	[sflag:s30] =	ssyncset.done $0x0  }
0xb1: {  	s12 =	rddreg [dreg:$0x15];
	[sflag:s30] =	ssyncadd.s32 $0xFFFFF000  }
0xb2: {  	[hbm4b:s12+s3] =	stream.linear.scatter [tilespmem:s5], [sflag:$0x1], $0x1000, $0x38;
	[tilespmem:$0x1A000] =	vst v63  }
0xb3: {  	_ =	swait.ge [sflag:s30], $0x1000  }
0xb4: {  	[sflag:s30] =	ssyncset.done $0x0  }
0xb5: {  	s13 =	rddreg [dreg:$0x16];
	[sflag:s30] =	ssyncadd.s32 $0xFFFFF000  }
0xb6: {  	[hbm4b:s13+s3] =	stream.linear.scatter [tilespmem:s6], [sflag:$0x1], $0x1000, $0x38;
	[tilespmem:$0x1A000] =	vst v63  }
0xb7: {  	_ =	swait.ge [sflag:s30], $0x1000  }
0xb8: {  	[sflag:s30] =	ssyncset.done $0x0  }
0xb9: {  	s14 =	rddreg [dreg:$0x17];
	[sflag:s30] =	ssyncadd.s32 $0xFFFFF000  }
0xba: {  	[hbm4b:s14+s3] =	stream.linear.scatter [tilespmem:s7], [sflag:$0x1], $0x1000, $0x38;
	[tilespmem:$0x1A000] =	vst v63  }
0xbb: {  	_ =	swait.ge [sflag:s30], $0x1000  }
0xbc: {  	[sflag:s30] =	ssyncset.done $0x0  }
0xbd: {  	[sflag:s30] =	ssyncadd.s32 $0xFFFFF000  }
0xbe: {  	[hbm4b:s15+s3] =	stream.linear.scatter [tilespmem:s8], [sflag:$0x1], $0x1000, $0x38;
	[tilespmem:$0x1A000] =	vst v63  }
0xbf: {  	_ =	swait.ge [sflag:s30], $0x1000  }
0xc0: {  	[sflag:s30] =	ssyncset.done $0x0  }
0xc1: {  	s12 =	simm.s32 $0x1000;
	[sflag:s30] =	ssyncadd.s32 $0xFFFFF000  }
0xc2: {  	v0 =	vld [tilespmem:s12+$0xC000];
	_ =	sdelay $0x3  }
0xc3: {  	v1 =	vld [tilespmem:s12+$0x10000]  }
0xc4: {  	s10 =	simm.s32 $0x1010;
	v2 =	vld [tilespmem:s12+$0xE000]  }
0xc5: {  	v4 =	vld [tilespmem:s10+$0x10000]  }
0xc6: {  	v5 =	vld [tilespmem:s10+$0xE000]  }
0xc7: {  	v6 =	vld.idx.msk [tilespmem:v0+s4+$0x0], $0xffff  }
0xc8: {  	v7 =	vld.idx.msk [tilespmem:v0+s1+$0x0], $0xffff  }
0xc9: {  	v8 =	vld.idx.msk [tilespmem:v0+s20+$0x0], $0xffff  }
0xca: {  	v11 =	vsub.f32 v1, v2;
	v1 =	vadd.f32 v1, v2;
	v61 =	vld.idx.msk [tilespmem:v0+s0+$0x0], $0xffff  }
0xcb: {  	v62 =	vld.idx.msk [tilespmem:v0+s3+$0x0], $0xffff  }
0xcc: {  	v12 =	vmul.f32 $5.000000000e-01, v1;
	v3 =	vld.idx.msk [tilespmem:v0+s31+$0x0], $0xffff  }
0xcd: {  	v0 =	vld [tilespmem:s10+$0xC000];
	[tilespmem:s12+$0x17000] =	vst v11  }
0xce: {  	[tilespmem:s12+$0x16000] =	vst v7;
	v7 =	vmul.f32 v7, v12  }
0xcf: {  	v2 =	vadd.f32 v4, v5;
	[tilespmem:s12+$0x18000] =	vst v12;
	v63 =	vmul.f32 v8, v12  }
0xd0: {  	v1 =	vsub.f32 v4, v5;
	[tilespmem:s12+$0x14000] =	vst v8;
	v5 =	vmul.f32 v61, v12;
	v6 =	vadd.f32 v7, v6  }
0xd1: {  	s11 =	simm.s32 $0x1020;
	s13 =	simm.s32 $0x40C0;
	[tilespmem:s12+$0x15000] =	vst v61;
	v4 =	vadd.f32 v63, v62  }
.LBB3_4:
0xd2: {  	p0 =	sne.s32 s13, $0x7FC0;
	v3 =	vadd.f32 v5, v3;
	[tilespmem:s12+$0x13000] =	vst v6;
	s14 =	smov.u32 s13;
	s13 =	sadd.s32 $0x40, s13  }
0xd3: {  	v7 =	vmul.f32 $5.000000000e-01, v2;
	v5 =	vld [tilespmem:s11+$0x10000];
	[tilespmem:s12+$0x11000] =	vst v4  }
0xd4: {  	v2 =	vld [tilespmem:s11+$0xE000];
	[tilespmem:s12+$0x12000] =	vst v3;
	s12 =	smov.u32 s10;
	s10 =	smov.u32 s11  }
0xd5: {  	v4 =	vld.idx.msk [tilespmem:v0+s4+$0x0], $0xffff  }
0xd6: {  	v6 =	vld.idx.msk [tilespmem:v0+s1+$0x0], $0xffff  }
0xd7: {  	v8 =	vld.idx.msk [tilespmem:v0+s20+$0x0], $0xffff  }
0xd8: {  	v9 =	vld.idx.msk [tilespmem:v0+s0+$0x0], $0xffff  }
0xd9: {  	v10 =	vsub.f32 v5, v2;
	v11 =	vld.idx.msk [tilespmem:v0+s3+$0x0], $0xffff  }
0xda: {  	v2 =	vadd.f32 v5, v2;
	v3 =	vld.idx.msk [tilespmem:v0+s31+$0x0], $0xffff  }
.Ltmp1:
0xdb: {  	s11 =	sshra.s32 s14, $0x2;
	v0 =	vld [tilespmem:s10+$0xC000];
	[tilespmem:s12+$0x17000] =	vst v1;
	v1 =	vmov v10;
	(pc) =	sbr.rel @p0 .LBB3_4-.Ltmp1, $4  }
0xdc: {  	v10 =	vmul.f32 v6, v7;
	[tilespmem:s12+$0x16000] =	vst v6  }
0xdd: {  	v12 =	vmul.f32 v8, v7;
	[tilespmem:s12+$0x14000] =	vst v8  }
0xde: {  	v5 =	vmul.f32 v9, v7;
	v6 =	vadd.f32 v10, v4;
	[tilespmem:s12+$0x15000] =	vst v9  }
0xdf: {  	v4 =	vadd.f32 v12, v11;
	[tilespmem:s12+$0x18000] =	vst v7  }
0xe0: {  	_ = 	snop  }
0xe1: {  	[tilespmem:s12+$0x13000] =	vst v6;
	v3 =	vadd.f32 v5, v3  }
0xe2: {  	v6 =	vld [tilespmem:s11+$0x10000];
	[tilespmem:s12+$0x11000] =	vst v4  }
0xe3: {  	v4 =	vld [tilespmem:s11+$0xE000];
	[tilespmem:s12+$0x12000] =	vst v3  }
0xe4: {  	v3 =	vld.idx.msk [tilespmem:v0+s4+$0x0], $0xffff  }
0xe5: {  	v51 =	vld.idx.msk [tilespmem:v0+s1+$0x0], $0xffff  }
0xe6: {  	v7 =	vld.idx.msk [tilespmem:v0+s20+$0x0], $0xffff  }
0xe7: {  	v8 =	vld.idx.msk [tilespmem:v0+s0+$0x0], $0xffff  }
0xe8: {  	v9 =	vld.idx.msk [tilespmem:v0+s3+$0x0], $0xffff  }
0xe9: {  	v2 =	vmul.f32 $5.000000000e-01, v2;
	v52 =	vld.idx.msk [tilespmem:v0+s31+$0x0], $0xffff  }
0xea: {  	v10 =	vld [tilespmem:s11+$0xC000];
	[tilespmem:s10+$0x17000] =	vst v1  }
0xeb: {  	[tilespmem:s10+$0x18000] =	vst v2;
	v53 =	vmul.f32 v51, v2  }
0xec: {  	[tilespmem:s10+$0x16000] =	vst v51;
	v54 =	vmul.f32 v7, v2  }
0xed: {  	[tilespmem:s10+$0x14000] =	vst v7;
	v55 =	vmul.f32 v8, v2;
	v1 =	vadd.f32 v53, v3  }
0xee: {  	[tilespmem:s10+$0x15000] =	vst v8;
	v56 =	vadd.f32 v54, v9  }
0xef: {  	v0 =	vadd.f32 v55, v52;
	[tilespmem:s10+$0x13000] =	vst v1  }
0xf0: {  	[tilespmem:s10+$0x11000] =	vst v56  }
0xf1: {  	[tilespmem:s10+$0x12000] =	vst v0  }
0xf2: {  	v0 =	vld.idx.msk [tilespmem:v10+s4+$0x0], $0xffff  }
0xf3: {  	v1 =	vld.idx.msk [tilespmem:v10+s1+$0x0], $0xffff  }
0xf4: {  	v57 =	vadd.f32 v6, v4;
	v2 =	vld.idx.msk [tilespmem:v10+s20+$0x0], $0xffff  }
0xf5: {  	v4 =	vsub.f32 v6, v4;
	v58 =	vld.idx.msk [tilespmem:v10+s0+$0x0], $0xffff  }
0xf6: {  	v3 =	vmul.f32 $5.000000000e-01, v57;
	v59 =	vld.idx.msk [tilespmem:v10+s3+$0x0], $0xffff  }
0xf7: {  	v60 =	vld.idx.msk [tilespmem:v10+s31+$0x0], $0xffff;
	[tilespmem:s11+$0x17000] =	vst v4  }
0xf8: {  	[tilespmem:s11+$0x18000] =	vst v3;
	v61 =	vmul.f32 v1, v3  }
0xf9: {  	[tilespmem:s11+$0x16000] =	vst v1;
	v62 =	vmul.f32 v2, v3  }
0xfa: {  	[tilespmem:s11+$0x14000] =	vst v2;
	v63 =	vmul.f32 v58, v3;
	v0 =	vadd.f32 v61, v0  }
0xfb: {  	[tilespmem:s11+$0x15000] =	vst v58;
	v1 =	vadd.f32 v62, v59  }
0xfc: {  	v2 =	vadd.f32 v63, v60;
	[tilespmem:s11+$0x13000] =	vst v0  }
0xfd: {  	[tilespmem:s11+$0x11000] =	vst v1  }
0xfe: {  	[tilespmem:s11+$0x12000] =	vst v2  }
0xff: {  	[hbm4b:s16+s3] =	stream.linear.scatter [tilespmem:s24], [sflag:$0x1], $0x1000, $0x38;
	[tilespmem:$0x1A000] =	vst v63  }
0x100: {  	_ =	swait.ge [sflag:s30], $0x1000  }
0x101: {  	[sflag:s30] =	ssyncset.done $0x0  }
0x102: {  	[sflag:s30] =	ssyncadd.s32 $0xFFFFF000  }
0x103: {  	[hbm4b:s18+s3] =	stream.linear.scatter [tilespmem:s2], [sflag:$0x1], $0x1000, $0x38;
	[tilespmem:$0x1A000] =	vst v63  }
0x104: {  	_ =	swait.ge [sflag:s30], $0x1000  }
0x105: {  	[sflag:s30] =	ssyncset.done $0x0  }
0x106: {  	[sflag:s30] =	ssyncadd.s32 $0xFFFFF000  }
0x107: {  	[hbm4b:s19+s3] =	stream.linear.scatter [tilespmem:s17], [sflag:$0x1], $0x1000, $0x38;
	[tilespmem:$0x1A000] =	vst v63  }
0x108: {  	_ =	swait.ge [sflag:s30], $0x1000  }
0x109: {  	[sflag:s30] =	ssyncset.done $0x0  }
0x10a: {  	[sflag:s30] =	ssyncadd.s32 $0xFFFFF000  }
0x10b: {  	[hbm4b:s22+s3] =	stream.linear.scatter [tilespmem:s21], [sflag:$0x1], $0x1000, $0x38;
	[tilespmem:$0x1A000] =	vst v63  }
0x10c: {  	_ =	swait.ge [sflag:s30], $0x1000  }
0x10d: {  	[sflag:s30] =	ssyncset.done $0x0  }
0x10e: {  	[sflag:s30] =	ssyncadd.s32 $0xFFFFF000  }
0x10f: {  	[hbm4b:s23+s3] =	stream.linear.scatter [tilespmem:s5], [sflag:$0x1], $0x1000, $0x38;
	[tilespmem:$0x1A000] =	vst v63  }
0x110: {  	_ =	swait.ge [sflag:s30], $0x1000  }
0x111: {  	[sflag:s30] =	ssyncset.done $0x0  }
0x112: {  	[sflag:s30] =	ssyncadd.s32 $0xFFFFF000  }
0x113: {  	[hbm4b:s25+s3] =	stream.linear.scatter [tilespmem:s6], [sflag:$0x1], $0x1000, $0x38;
	[tilespmem:$0x1A000] =	vst v63  }
0x114: {  	_ =	swait.ge [sflag:s30], $0x1000  }
0x115: {  	[sflag:s30] =	ssyncset.done $0x0  }
0x116: {  	[sflag:s30] =	ssyncadd.s32 $0xFFFFF000  }
0x117: {  	[hbm4b:s26+s3] =	stream.linear.scatter [tilespmem:s7], [sflag:$0x1], $0x1000, $0x38;
	[tilespmem:$0x1A000] =	vst v63  }
0x118: {  	s9 =	sadd.s32 $0x1, s9;
	_ =	swait.ge [sflag:s30], $0x1000  }
0x119: {  	p0 =	sne.s32 s9, s29;
	[sflag:s30] =	ssyncset.done $0x0  }
.Ltmp2:
0x11a: {  	[sflag:s30] =	ssyncadd.s32 $0xFFFFF000;
	(pc) =	sbr.rel @p0 .LBB3_1-.Ltmp2, $4  }
0x11b: {  	[hbm4b:s28+s3] =	stream.linear.scatter [tilespmem:s8], [sflag:$0x1], $0x1000, $0x38;
	[tilespmem:$0x1A000] =	vst v63  }
0x11c: {  	_ =	swait.ge [sflag:s30], $0x1000  }
0x11d: {  	[sflag:s30] =	ssyncset.done $0x0  }
0x11e: {  	[sflag:s30] =	ssyncadd.s32 $0xFFFFF000  }
0x11f: {  	_ =	sfence.sel $0x180000  }
0x120: {  	[bflag:$0x0] =	sbarrier.arrive $0xFFFF  }
0x121: {  	_ =	strace $0x90000047  }
0x122: {  	s0 =	stileid.u32;
	[bflag:$0x2] =	sbarrier.arrive $0xFFFF  }
0x123: {  	p0 =	sne.s32 s0, $0x0;
	s0 =	rddreg [dreg:$0x18]  }
0x124: {  	s0 =	sadd.s32 @!p0 $0x100000, s0  }
0x125: {  	[sflag:s0] =	ssyncadd.tile.s32 @!p0 $0x1;
	_ =	shalt  }
.Lfunc_end3:
_tile_overlayer_lowered:
.L_overlay_start_3:
0x126: {  	(tag) =	ssettag $0x3  }
0x127: {  	s0 =	rddreg [dreg:$0x0];
	s2 =	stileid.u32  }
0x128: {  	s1 =	rddreg [dreg:$0x1];
	p0 =	sne.s32 s2, $0x0  }
0x129: {  	s3 =	rddreg [dreg:$0x2];
	[bflag:$0x3] =	sbarrier.arrive $0xFFFF;
	s2 =	simm.s32 @!p0 $0x1C01  }
0x12a: {  	[timem:s3], [sflag:s2] =	dma.local @!p0 [hbm:s0], s1  }
0x12b: {  	s0 =	simm.s32 @!p0 $0x1  }
0x12c: {  	_ =	swait.ge @!p0 [sflag:s0], s1  }
0x12d: {  	s1 =	ssub.s32 @!p0 $0x0, s1;
	[sflag:s0] =	ssyncset.done @!p0 $0x0  }
0x12e: {  	[sflag:s0] =	ssyncadd.s32 @!p0 s1  }
0x12f: {  	[bflag:$0x3] =	sbarrier.arrive $0xFFFF  }
0x130: {  	_ =	shalt  }

</sc_bundles>
